<compile_context>
chip_gen: v7x
topology: tpu7x:2x2x1
jax: 0.10.2.dev20260603
libtpu: 0.0.44.dev20260713+nightly
codegen_flags: <defaults>
</compile_context>

<pallas_src>
import dataclasses
import functools

import jax
import jax.numpy as jnp
from jax import lax
from jax.experimental import pallas as pl
from jax.experimental.pallas import tpu as pltpu
from jax.experimental.pallas import tpu_sc as plsc

N = 10000
N_PAD = 10240
D = 128
HD = 64
QD = 128
SLOPE = 0.2
E = 320000
NC = 2
NS = 16
NW = NC * NS
EPS = E // NS
CH = 80
NCH = EPS // CH
DCH = NCH // NC
ROWS_PER_SUB = N_PAD // NS
ZROWS = 128
BLK = 1024


def _payload_block(h_blk, q_blk, w_vec):
    wh = w_vec[:, :D]
    wq = w_vec[:, D:]
    z = (jnp.sum(h_blk * wh, axis=1, keepdims=True)
         + jnp.sum(q_blk * wq, axis=1, keepdims=True))
    a = jnp.where(z > 0, z, SLOPE * z)
    w = jnp.exp(a)
    g = h_blk * w
    return jnp.stack([g[:, :HD], g[:, HD:]], axis=0), w[:, 0]


def _combine_block(num_ref, den_ref, h_prev):
    num = jnp.concatenate([num_ref[0], num_ref[1]], axis=1)
    den = jnp.sum(den_ref[...], axis=(0, 1))[:, None]
    keep = den > 0.0
    return jnp.where(keep, num / jnp.where(keep, den, 1.0), h_prev)


def _prologue_body(h_ref, q_ref, w_ref, g_ref, wout_ref):
    g, w = _payload_block(h_ref[...], q_ref[...], w_ref[...])
    g_ref[...] = g
    wout_ref[...] = w


def _mid_body(num_ref, den_ref, h_ref, q_ref, w_ref, h1_ref, g2_ref, w2_ref):
    h1 = _combine_block(num_ref, den_ref, h_ref[...])
    h1_ref[...] = h1
    g2, w2 = _payload_block(h1, q_ref[...], w_ref[...])
    g2_ref[...] = g2
    w2_ref[...] = w2


def _final_body(num_ref, den_ref, h1_ref, out_ref):
    out_ref[...] = _combine_block(num_ref, den_ref, h1_ref[...])


def _tc_prologue(h_p, q_p, w_vec):
    return pl.pallas_call(
        _prologue_body,
        grid=(N_PAD // BLK,),
        in_specs=[
            pl.BlockSpec((BLK, D), lambda i: (i, 0)),
            pl.BlockSpec((BLK, QD), lambda i: (i, 0)),
            pl.BlockSpec((1, D + QD), lambda i: (0, 0)),
        ],
        out_specs=[
            pl.BlockSpec((NC, BLK, HD), lambda i: (0, i, 0)),
            pl.BlockSpec((BLK,), lambda i: (i,)),
        ],
        out_shape=[
            jax.ShapeDtypeStruct((NC, N_PAD, HD), jnp.float32),
            jax.ShapeDtypeStruct((N_PAD,), jnp.float32),
        ],
    )(h_p, q_p, w_vec)


def _tc_mid(num, den, h_p, q_p, w_vec):
    return pl.pallas_call(
        _mid_body,
        grid=(N_PAD // BLK,),
        in_specs=[
            pl.BlockSpec((NC, BLK, HD), lambda i: (0, i, 0)),
            pl.BlockSpec((NC, NS, BLK), lambda i: (0, 0, i)),
            pl.BlockSpec((BLK, D), lambda i: (i, 0)),
            pl.BlockSpec((BLK, QD), lambda i: (i, 0)),
            pl.BlockSpec((1, D + QD), lambda i: (0, 0)),
        ],
        out_specs=[
            pl.BlockSpec((BLK, D), lambda i: (i, 0)),
            pl.BlockSpec((NC, BLK, HD), lambda i: (0, i, 0)),
            pl.BlockSpec((BLK,), lambda i: (i,)),
        ],
        out_shape=[
            jax.ShapeDtypeStruct((N_PAD, D), jnp.float32),
            jax.ShapeDtypeStruct((NC, N_PAD, HD), jnp.float32),
            jax.ShapeDtypeStruct((N_PAD,), jnp.float32),
        ],
    )(num, den, h_p, q_p, w_vec)


def _tc_final(num, den, h1):
    return pl.pallas_call(
        _final_body,
        grid=(N_PAD // BLK,),
        in_specs=[
            pl.BlockSpec((NC, BLK, HD), lambda i: (0, i, 0)),
            pl.BlockSpec((NC, NS, BLK), lambda i: (0, 0, i)),
            pl.BlockSpec((BLK, D), lambda i: (i, 0)),
        ],
        out_specs=pl.BlockSpec((BLK, D), lambda i: (i, 0)),
        out_shape=jax.ShapeDtypeStruct((N_PAD, D), jnp.float32),
    )(num, den, h1)


def _sc_segment_sum(g, w, src3, dst3):
    mesh = plsc.VectorSubcoreMesh(core_axis_name="c", subcore_axis_name="s")
    cparams = pltpu.CompilerParams()
    flds = pltpu.CompilerParams.__dataclass_fields__
    if "needs_layout_passes" in flds:
        cparams = dataclasses.replace(cparams, needs_layout_passes=False)
    if "use_tc_tiling_on_sc" in flds:
        cparams = dataclasses.replace(cparams, use_tc_tiling_on_sc=False)

    @functools.partial(
        pl.kernel,
        compiler_params=cparams,
        out_type=[
            jax.ShapeDtypeStruct((NC, N_PAD, HD), jnp.float32),
            jax.ShapeDtypeStruct((NC, NS, N_PAD), jnp.float32),
        ],
        mesh=mesh,
        scratch_types=[
            pltpu.VMEM((NCH, CH), jnp.int32),
            pltpu.VMEM((NCH, CH), jnp.int32),
            pltpu.VMEM((CH, HD), jnp.float32),
            pltpu.VMEM((ZROWS, HD), jnp.float32),
            pltpu.VMEM((N_PAD,), jnp.float32),
            pltpu.VMEM((N_PAD,), jnp.float32),
            pltpu.VMEM_SHARED((N_PAD, HD), jnp.float32),
            pltpu.SemaphoreType.DMA,
        ],
    )
    def sc_kernel(g_hbm, w_hbm, src_hbm, dst_hbm, num_hbm, den_hbm,
                  src_v, dst_v, rows_v, zbuf, w_v, den_v, acc_sh, sem):
        cid = lax.axis_index("c")
        sid = lax.axis_index("s")

        zero = jnp.zeros((16,), jnp.float32)

        @pl.loop(0, ZROWS)
        def _(r):
            @pl.loop(0, HD, step=16)
            def _(col):
                zbuf[r, pl.ds(col, 16)] = zero

        @pl.loop(0, N_PAD, step=16)
        def _(i):
            den_v[pl.ds(i, 16)] = zero

        @pl.loop(0, ROWS_PER_SUB, step=ZROWS)
        def _(k):
            pltpu.sync_copy(zbuf, acc_sh.at[pl.ds(sid * ROWS_PER_SUB + k, ZROWS)])

        plsc.subcore_barrier()

        pltpu.sync_copy(src_hbm.at[sid], src_v)
        pltpu.sync_copy(dst_hbm.at[sid], dst_v)
        pltpu.sync_copy(w_hbm, w_v)

        den_lo = cid * DCH

        @pl.loop(0, NCH)
        def _(j):
            cp = pltpu.async_copy(g_hbm.at[cid].at[src_v.at[j]], rows_v, sem)

            @pl.when(jnp.logical_and(j >= den_lo, j < den_lo + DCH))
            def _():
                @pl.loop(0, CH, step=16)
                def _(c):
                    srcv = src_v[j, pl.ds(c, 16)]
                    dstv = dst_v[j, pl.ds(c, 16)]
                    wv = plsc.load_gather(w_v, [srcv])
                    plsc.addupdate_scatter(den_v, [dstv], wv)

            cp.wait()
            pltpu.sync_copy(rows_v, acc_sh.at[dst_v.at[j]], add=True)

        plsc.subcore_barrier()

        pltpu.sync_copy(
            acc_sh.at[pl.ds(sid * ROWS_PER_SUB, ROWS_PER_SUB)],
            num_hbm.at[cid].at[pl.ds(sid * ROWS_PER_SUB, ROWS_PER_SUB)],
        )
        pltpu.sync_copy(den_v, den_hbm.at[cid].at[sid])

    return sc_kernel(g, w, src3, dst3)


def kernel(h, q, W1, W2, edge_index):
    h_p = jnp.pad(h, ((0, N_PAD - N), (0, 0)))
    q_p = jnp.pad(q, ((0, N_PAD - N), (0, 0)))
    w1 = W1[:, 0][None, :]
    w2 = W2[:, 0][None, :]
    src3 = edge_index[0].reshape(NS, NCH, CH)
    dst3 = edge_index[1].reshape(NS, NCH, CH)

    g1, wn1 = _tc_prologue(h_p, q_p, w1)
    num1, den1 = _sc_segment_sum(g1, wn1, src3, dst3)
    h1, g2, wn2 = _tc_mid(num1, den1, h_p, q_p, w2)
    num2, den2 = _sc_segment_sum(g2, wn2, src3, dst3)
    h2 = _tc_final(num2, den2, h1)
    return h2[:N]

# --- scband reference (transcript-rebuilt; emitter-appended) ---
"""Pipeline reference for scband-graph-attn-layer-21869973471559 (READ-ONLY COPY).

The authoritative reference and input builder live on the scoring server;
editing this copy changes nothing except your own understanding.
"""

import jax, jax.numpy as jnp
import numpy as np

N = 10000
E = 320000
D = 128
Q = 128
SLOPE = 0.2


def setup_inputs(seed: int = 0) -> dict:
    key = jax.random.key(seed)
    k1, k2, k3, k4, k5 = jax.random.split(key, 5)
    h = jax.random.normal(k1, (N, D), dtype=jnp.float32)
    q = jax.random.normal(k2, (N, Q), dtype=jnp.float32)
    edge_index = jax.random.randint(k3, (2, E), 0, N, dtype=jnp.int32)
    W1 = jax.random.normal(k4, (D + Q, 1), dtype=jnp.float32) * 0.02
    W2 = jax.random.normal(k5, (D + Q, 1), dtype=jnp.float32) * 0.02
    return {"h": h, "q": q, "W1": W1, "W2": W2, "edge_index": edge_index}


def _gat_round(h, q, W, src, dst, n):
    # apply_edges: a = leaky_relu(Linear(cat(src.h, src.q)))  (per edge)
    h_src = jnp.take(h, src, axis=0)
    q_src = jnp.take(q, src, axis=0)
    cat = jnp.concatenate([h_src, q_src], axis=1)  # [E, D+Q]
    a = cat @ W  # [E, 1]
    a = jnp.where(a > 0, a, SLOPE * a)
    # update_all: per-dst softmax over incoming edges, weighted sum of src.h
    a_max = jax.ops.segment_max(a, dst, num_segments=n)  # [N, 1]
    a_max = jnp.where(jnp.isfinite(a_max), a_max, 0.0)
    e = jnp.exp(a - jnp.take(a_max, dst, axis=0))  # [E, 1]
    denom = jax.ops.segment_sum(e, dst, num_segments=n)  # [N, 1]
    num = jax.ops.segment_sum(e * h_src, dst, num_segments=n)  # [N, D]
    h_new = num / jnp.where(denom > 0.0, denom, 1.0)
    # nodes with zero in-degree keep their old feature (DGL semantics)
    return jnp.where(denom > 0.0, h_new, h)


def reference(h, q, W1, W2, edge_index):
    src = edge_index[0]
    dst = edge_index[1]
    n = h.shape[0]
    h1 = _gat_round(h, q, W1, src, dst, n)
    h2 = _gat_round(h1, q, W2, src, dst, n)
    return h2

if __name__ == "__main__":
    import jax
    _d = setup_inputs()
    print(jax.jit(kernel)(*tuple(_d.values())))

</pallas_src>

<mosaic_0001>
#map = affine_map<(d0, d1) -> (0, 0, 0)>
#map1 = affine_map<(d0, d1) -> (0)>
module attributes {stable_mosaic.version = 14 : i64} {
  func.func @sc_kernel(%arg0: i32, %arg1: i32, %arg2: memref<2x10240x64xf32, #tpu.memory_space<hbm>>, %arg3: memref<10240xf32, #tpu.memory_space<hbm>>, %arg4: memref<16x250x80xi32, #tpu.memory_space<hbm>>, %arg5: memref<16x250x80xi32, #tpu.memory_space<hbm>>, %arg6: memref<2x10240x64xf32, #tpu.memory_space<hbm>>, %arg7: memref<2x16x10240xf32, #tpu.memory_space<hbm>>, %arg8: memref<250x80xi32, #tpu.memory_space<vmem>>, %arg9: memref<250x80xi32, #tpu.memory_space<vmem>>, %arg10: memref<80x64xf32, #tpu.memory_space<vmem>>, %arg11: memref<128x64xf32, #tpu.memory_space<vmem>>, %arg12: memref<10240xf32, #tpu.memory_space<vmem>>, %arg13: memref<10240xf32, #tpu.memory_space<vmem>>, %arg14: memref<10240x64xf32, #tpu.memory_space<vmem_shared>>, %arg15: memref<!tpu.dma_semaphore, #tpu.memory_space<semaphore_mem>>) attributes {dimension_semantics = [#tpu.dimension_semantics<core_parallel>, #tpu.dimension_semantics<subcore_parallel>], iteration_bounds = array<i64: 2, 16>, scalar_prefetch = 0 : i64, scratch_operands = 8 : i64, tpu.core_type = #tpu.core_type<sc_vector_subcore>, window_params = [{transform_indices = #map}, {transform_indices = #map1}, {transform_indices = #map}, {transform_indices = #map}, {transform_indices = #map}, {transform_indices = #map}]} {
    %broadcast_in_dim3A = arith.constant 0.000000e+00 : f32
    %broadcast_in_dim3A_0 = vector.broadcast %broadcast_in_dim3A : f32 to vector<16xf32>
    %scan3A = arith.constant 0 : i32
    %scan3A_1 = arith.constant 128 : i32
    %scan3A_2 = arith.addi %scan3A, %scan3A_1 : i32
    %scan3A_3 = arith.constant 1 : i32
    scf.for %scan3A_26 = %scan3A to %scan3A_2 step %scan3A_3  : i32 {
      %mul3A_27 = arith.constant 1 : i32
      %mul3A_28 = arith.muli %scan3A_26, %mul3A_27 : i32
      %add3A = arith.constant 0 : i32
      %add3A_29 = arith.addi %add3A, %mul3A_28 : i32
      %scan3A_30 = arith.constant 0 : i32
      %scan3A_31 = arith.constant 4 : i32
      %scan3A_32 = arith.addi %scan3A_30, %scan3A_31 : i32
      %scan3A_33 = arith.constant 1 : i32
      scf.for %scan3A_35 = %scan3A_30 to %scan3A_32 step %scan3A_33  : i32 {
        %mul3A_36 = arith.constant 16 : i32
        %mul3A_37 = arith.muli %scan3A_35, %mul3A_36 : i32
        %add3A_38 = arith.constant 0 : i32
        %add3A_39 = arith.addi %add3A_38, %mul3A_37 : i32
        %swap3A = arith.index_cast %add3A_29 : i32 to index
        %swap3A_40 = arith.index_cast %add3A_39 : i32 to index
        %swap3A_41 = tpu.vector_load %arg11[%swap3A, %swap3A_40] {strides = array<i32>} : memref<128x64xf32, #tpu.memory_space<vmem>>, vector<16xf32>,
        tpu.vector_store %arg11[%swap3A, %swap3A_40], %broadcast_in_dim3A_0 {strides = array<i32>} : memref<128x64xf32, #tpu.memory_space<vmem>>, vector<16xf32>,
      }
      %scan3A_34 = arith.constant 4 : i32
    }
    %scan3A_4 = arith.constant 128 : i32
    %scan3A_5 = arith.constant 0 : i32
    %scan3A_6 = arith.constant 640 : i32
    %scan3A_7 = arith.addi %scan3A_5, %scan3A_6 : i32
    %scan3A_8 = arith.constant 1 : i32
    scf.for %scan3A_26 = %scan3A_5 to %scan3A_7 step %scan3A_8  : i32 {
      %mul3A_27 = arith.constant 16 : i32
      %mul3A_28 = arith.muli %scan3A_26, %mul3A_27 : i32
      %add3A = arith.constant 0 : i32
      %add3A_29 = arith.addi %add3A, %mul3A_28 : i32
      %swap3A = arith.index_cast %add3A_29 : i32 to index
      %swap3A_30 = tpu.vector_load %arg13[%swap3A] {strides = array<i32>} : memref<10240xf32, #tpu.memory_space<vmem>>, vector<16xf32>,
      tpu.vector_store %arg13[%swap3A], %broadcast_in_dim3A_0 {strides = array<i32>} : memref<10240xf32, #tpu.memory_space<vmem>>, vector<16xf32>,
    }
    %scan3A_9 = arith.constant 640 : i32
    %scan3A_10 = arith.constant 0 : i32
    %scan3A_11 = arith.constant 5 : i32
    %scan3A_12 = arith.addi %scan3A_10, %scan3A_11 : i32
    %scan3A_13 = arith.constant 1 : i32
    scf.for %scan3A_26 = %scan3A_10 to %scan3A_12 step %scan3A_13  : i32 {
      %mul3A_27 = arith.constant 128 : i32
      %mul3A_28 = arith.muli %scan3A_26, %mul3A_27 : i32
      %add3A = arith.constant 0 : i32
      %add3A_29 = arith.addi %add3A, %mul3A_28 : i32
      %mul3A_30 = arith.constant 640 : i32
      %mul3A_31 = arith.muli %arg1, %mul3A_30 : i32
      %add3A_32 = arith.addi %mul3A_31, %add3A_29 : i32
      "tpu.region"() ({
        %run_scoped3A = tpu.sem_alloc : memref<!tpu.dma_semaphore, #tpu.memory_space<semaphore_mem>>
        %dma_start3A = arith.constant 0 : i32
        %dma_start3A_33 = tpu.memref_slice %arg14[%add3A_32, %dma_start3A] : memref<10240x64xf32, #tpu.memory_space<vmem_shared>> -> memref<128x64xf32, #tpu.memory_space<vmem_shared>>
        %dma_start3A_34 = arith.constant 0 : i32
        %dma_start3A_35 = tpu.memref_slice %arg14[%add3A_32, %dma_start3A_34] : memref<10240x64xf32, #tpu.memory_space<vmem_shared>> -> memref<128x64xf32, #tpu.memory_space<vmem_shared>>
        tpu.enqueue_dma source(%arg11 : memref<128x64xf32, #tpu.memory_space<vmem>>) target(%dma_start3A_35 : memref<128x64xf32, #tpu.memory_space<vmem_shared>>) target_semaphore(%run_scoped3A : memref<!tpu.dma_semaphore, #tpu.memory_space<semaphore_mem>>)
        %dma_wait3A = arith.constant 0 : i32
        %dma_wait3A_36 = tpu.memref_slice %arg14[%add3A_32, %dma_wait3A] : memref<10240x64xf32, #tpu.memory_space<vmem_shared>> -> memref<128x64xf32, #tpu.memory_space<vmem_shared>>
        %dma_wait3A_37 = arith.constant 0 : i32
        %dma_wait3A_38 = tpu.memref_slice %arg14[%add3A_32, %dma_wait3A_37] : memref<10240x64xf32, #tpu.memory_space<vmem_shared>> -> memref<128x64xf32, #tpu.memory_space<vmem_shared>>
        tpu.wait_dma2 semaphore(%run_scoped3A : memref<!tpu.dma_semaphore, #tpu.memory_space<semaphore_mem>>) src(%arg11 : memref<128x64xf32, #tpu.memory_space<vmem>>) dst(%dma_wait3A_38 : memref<128x64xf32, #tpu.memory_space<vmem_shared>>)
        tpu.yield
      }) : () -> ()
    }
    %scan3A_14 = arith.constant 5 : i32
    %barrier3A = arith.constant 0 : index
    tpu.barrier barrier_id(%barrier3A)
    "tpu.region"() ({
      %run_scoped3A = tpu.sem_alloc : memref<!tpu.dma_semaphore, #tpu.memory_space<semaphore_mem>>
      %dma_start3A = arith.constant 0 : i32
      %dma_start3A_26 = arith.constant 0 : i32
      %dma_start3A_27 = tpu.memref_slice %arg4[%arg1, %dma_start3A, %dma_start3A_26] : memref<16x250x80xi32, #tpu.memory_space<hbm>> -> memref<1x250x80xi32, #tpu.memory_space<hbm>>
      %dma_start3A_28 = tpu.memref_squeeze %dma_start3A_27 : memref<1x250x80xi32, #tpu.memory_space<hbm>> -> memref<250x80xi32, #tpu.memory_space<hbm>>
      %dma_start3A_29 = arith.constant 0 : i32
      %dma_start3A_30 = arith.constant 0 : i32
      %dma_start3A_31 = tpu.memref_slice %arg4[%arg1, %dma_start3A_29, %dma_start3A_30] : memref<16x250x80xi32, #tpu.memory_space<hbm>> -> memref<1x250x80xi32, #tpu.memory_space<hbm>>
      %dma_start3A_32 = tpu.memref_squeeze %dma_start3A_31 : memref<1x250x80xi32, #tpu.memory_space<hbm>> -> memref<250x80xi32, #tpu.memory_space<hbm>>
      tpu.enqueue_dma source(%dma_start3A_32 : memref<250x80xi32, #tpu.memory_space<hbm>>) target(%arg8 : memref<250x80xi32, #tpu.memory_space<vmem>>) target_semaphore(%run_scoped3A : memref<!tpu.dma_semaphore, #tpu.memory_space<semaphore_mem>>)
      %dma_wait3A = arith.constant 0 : i32
      %dma_wait3A_33 = arith.constant 0 : i32
      %dma_wait3A_34 = tpu.memref_slice %arg4[%arg1, %dma_wait3A, %dma_wait3A_33] : memref<16x250x80xi32, #tpu.memory_space<hbm>> -> memref<1x250x80xi32, #tpu.memory_space<hbm>>
      %dma_wait3A_35 = tpu.memref_squeeze %dma_wait3A_34 : memref<1x250x80xi32, #tpu.memory_space<hbm>> -> memref<250x80xi32, #tpu.memory_space<hbm>>
      %dma_wait3A_36 = arith.constant 0 : i32
      %dma_wait3A_37 = arith.constant 0 : i32
      %dma_wait3A_38 = tpu.memref_slice %arg4[%arg1, %dma_wait3A_36, %dma_wait3A_37] : memref<16x250x80xi32, #tpu.memory_space<hbm>> -> memref<1x250x80xi32, #tpu.memory_space<hbm>>
      %dma_wait3A_39 = tpu.memref_squeeze %dma_wait3A_38 : memref<1x250x80xi32, #tpu.memory_space<hbm>> -> memref<250x80xi32, #tpu.memory_space<hbm>>
      tpu.wait_dma2 semaphore(%run_scoped3A : memref<!tpu.dma_semaphore, #tpu.memory_space<semaphore_mem>>) src(%dma_wait3A_39 : memref<250x80xi32, #tpu.memory_space<hbm>>) dst(%arg8 : memref<250x80xi32, #tpu.memory_space<vmem>>)
      tpu.yield
    }) : () -> ()
    "tpu.region"() ({
      %run_scoped3A = tpu.sem_alloc : memref<!tpu.dma_semaphore, #tpu.memory_space<semaphore_mem>>
      %dma_start3A = arith.constant 0 : i32
      %dma_start3A_26 = arith.constant 0 : i32
      %dma_start3A_27 = tpu.memref_slice %arg5[%arg1, %dma_start3A, %dma_start3A_26] : memref<16x250x80xi32, #tpu.memory_space<hbm>> -> memref<1x250x80xi32, #tpu.memory_space<hbm>>
      %dma_start3A_28 = tpu.memref_squeeze %dma_start3A_27 : memref<1x250x80xi32, #tpu.memory_space<hbm>> -> memref<250x80xi32, #tpu.memory_space<hbm>>
      %dma_start3A_29 = arith.constant 0 : i32
      %dma_start3A_30 = arith.constant 0 : i32
      %dma_start3A_31 = tpu.memref_slice %arg5[%arg1, %dma_start3A_29, %dma_start3A_30] : memref<16x250x80xi32, #tpu.memory_space<hbm>> -> memref<1x250x80xi32, #tpu.memory_space<hbm>>
      %dma_start3A_32 = tpu.memref_squeeze %dma_start3A_31 : memref<1x250x80xi32, #tpu.memory_space<hbm>> -> memref<250x80xi32, #tpu.memory_space<hbm>>
      tpu.enqueue_dma source(%dma_start3A_32 : memref<250x80xi32, #tpu.memory_space<hbm>>) target(%arg9 : memref<250x80xi32, #tpu.memory_space<vmem>>) target_semaphore(%run_scoped3A : memref<!tpu.dma_semaphore, #tpu.memory_space<semaphore_mem>>)
      %dma_wait3A = arith.constant 0 : i32
      %dma_wait3A_33 = arith.constant 0 : i32
      %dma_wait3A_34 = tpu.memref_slice %arg5[%arg1, %dma_wait3A, %dma_wait3A_33] : memref<16x250x80xi32, #tpu.memory_space<hbm>> -> memref<1x250x80xi32, #tpu.memory_space<hbm>>
      %dma_wait3A_35 = tpu.memref_squeeze %dma_wait3A_34 : memref<1x250x80xi32, #tpu.memory_space<hbm>> -> memref<250x80xi32, #tpu.memory_space<hbm>>
      %dma_wait3A_36 = arith.constant 0 : i32
      %dma_wait3A_37 = arith.constant 0 : i32
      %dma_wait3A_38 = tpu.memref_slice %arg5[%arg1, %dma_wait3A_36, %dma_wait3A_37] : memref<16x250x80xi32, #tpu.memory_space<hbm>> -> memref<1x250x80xi32, #tpu.memory_space<hbm>>
      %dma_wait3A_39 = tpu.memref_squeeze %dma_wait3A_38 : memref<1x250x80xi32, #tpu.memory_space<hbm>> -> memref<250x80xi32, #tpu.memory_space<hbm>>
      tpu.wait_dma2 semaphore(%run_scoped3A : memref<!tpu.dma_semaphore, #tpu.memory_space<semaphore_mem>>) src(%dma_wait3A_39 : memref<250x80xi32, #tpu.memory_space<hbm>>) dst(%arg9 : memref<250x80xi32, #tpu.memory_space<vmem>>)
      tpu.yield
    }) : () -> ()
    "tpu.region"() ({
      %run_scoped3A = tpu.sem_alloc : memref<!tpu.dma_semaphore, #tpu.memory_space<semaphore_mem>>
      tpu.enqueue_dma source(%arg3 : memref<10240xf32, #tpu.memory_space<hbm>>) target(%arg12 : memref<10240xf32, #tpu.memory_space<vmem>>) target_semaphore(%run_scoped3A : memref<!tpu.dma_semaphore, #tpu.memory_space<semaphore_mem>>)
      tpu.wait_dma2 semaphore(%run_scoped3A : memref<!tpu.dma_semaphore, #tpu.memory_space<semaphore_mem>>) src(%arg3 : memref<10240xf32, #tpu.memory_space<hbm>>) dst(%arg12 : memref<10240xf32, #tpu.memory_space<vmem>>)
      tpu.yield
    }) : () -> ()
    %mul3A = arith.constant 125 : i32
    %mul3A_15 = arith.muli %arg0, %mul3A : i32
    %scan3A_16 = arith.constant 0 : i32
    %scan3A_17 = arith.constant 250 : i32
    %scan3A_18 = arith.addi %scan3A_16, %scan3A_17 : i32
    %scan3A_19 = arith.constant 1 : i32
    scf.for %scan3A_26 = %scan3A_16 to %scan3A_18 step %scan3A_19  : i32 {
      %mul3A_27 = arith.constant 1 : i32
      %mul3A_28 = arith.muli %scan3A_26, %mul3A_27 : i32
      %add3A = arith.constant 0 : i32
      %add3A_29 = arith.addi %add3A, %mul3A_28 : i32
      %dma_start3A = arith.constant 0 : i32
      %dma_start3A_30 = tpu.memref_slice %arg8[%add3A_29, %dma_start3A] : memref<250x80xi32, #tpu.memory_space<vmem>> -> memref<1x80xi32, #tpu.memory_space<vmem>>
      %dma_start3A_31 = tpu.memref_squeeze %dma_start3A_30 : memref<1x80xi32, #tpu.memory_space<vmem>> -> memref<80xi32, #tpu.memory_space<vmem>>
      %dma_start3A_32 = arith.constant 0 : i32
      %dma_start3A_33 = arith.constant 0 : i32
      %dma_start3A_34 = tpu.memref_slice %arg2[%arg0, %dma_start3A_32, %dma_start3A_33] : memref<2x10240x64xf32, #tpu.memory_space<hbm>> -> memref<1x10240x64xf32, #tpu.memory_space<hbm>>
      %dma_start3A_35 = tpu.memref_squeeze %dma_start3A_34 : memref<1x10240x64xf32, #tpu.memory_space<hbm>> -> memref<10240x64xf32, #tpu.memory_space<hbm>>
      %dma_start3A_36 = arith.constant 0 : i32
      %dma_start3A_37 = arith.constant 0 : i32
      %dma_start3A_38 = tpu.memref_slice %dma_start3A_35[%dma_start3A_36, %dma_start3A_37] : memref<10240x64xf32, #tpu.memory_space<hbm>> -> memref<10240x64xf32, #tpu.memory_space<hbm>>
      tpu.enqueue_indirect_dma source(%dma_start3A_38 : memref<10240x64xf32, #tpu.memory_space<hbm>>) target(%arg10 : memref<80x64xf32, #tpu.memory_space<vmem>>) offsets(%dma_start3A_31 : memref<80xi32, #tpu.memory_space<vmem>>) semaphore(%arg15 : memref<!tpu.dma_semaphore, #tpu.memory_space<semaphore_mem>>)
      %ge3A = arith.cmpi sge, %add3A_29, %mul3A_15 : i32
      %add3A_39 = arith.constant 125 : i32
      %add3A_40 = arith.addi %mul3A_15, %add3A_39 : i32
      %lt3A = arith.cmpi slt, %add3A_29, %add3A_40 : i32
      %and3A = arith.andi %ge3A, %lt3A : i1
      %convert_element_type3A = arith.extui %and3A : i1 to i32
      %cond3A = arith.constant 0 : i32
      %cond3A_41 = arith.cmpi ne, %convert_element_type3A, %cond3A : i32
      scf.if %cond3A_41 {
        %scan3A_51 = arith.constant 0 : i32
        %scan3A_52 = arith.constant 5 : i32
        %scan3A_53 = arith.addi %scan3A_51, %scan3A_52 : i32
        %scan3A_54 = arith.constant 1 : i32
        scf.for %scan3A_56 = %scan3A_51 to %scan3A_53 step %scan3A_54  : i32 {
          %mul3A_57 = arith.constant 16 : i32
          %mul3A_58 = arith.muli %scan3A_56, %mul3A_57 : i32
          %add3A_59 = arith.constant 0 : i32
          %add3A_60 = arith.addi %add3A_59, %mul3A_58 : i32
          %get3A = arith.index_cast %add3A_29 : i32 to index
          %get3A_61 = arith.index_cast %add3A_60 : i32 to index
          %get3A_62 = tpu.vector_load %arg8[%get3A, %get3A_61] {strides = array<i32>} : memref<250x80xi32, #tpu.memory_space<vmem>>, vector<16xi32>,
          %get3A_63 = arith.index_cast %add3A_29 : i32 to index
          %get3A_64 = arith.index_cast %add3A_60 : i32 to index
          %get3A_65 = tpu.vector_load %arg9[%get3A_63, %get3A_64] {strides = array<i32>} : memref<250x80xi32, #tpu.memory_space<vmem>>, vector<16xi32>,
          %gather3A = tpu.vector_load_idx %arg12[%get3A_62] : memref<10240xf32, #tpu.memory_space<vmem>>[vector<16xi32>], vector<16xf32>,
          tpu.vector_store_idx %arg13[%get3A_65], %gather3A {add = true} : memref<10240xf32, #tpu.memory_space<vmem>>[vector<16xi32>], vector<16xf32>,
        }
        %scan3A_55 = arith.constant 5 : i32
      } else {
      }
      %dma_wait3A = arith.constant 0 : i32
      %dma_wait3A_42 = tpu.memref_slice %arg8[%add3A_29, %dma_wait3A] : memref<250x80xi32, #tpu.memory_space<vmem>> -> memref<1x80xi32, #tpu.memory_space<vmem>>
      %dma_wait3A_43 = tpu.memref_squeeze %dma_wait3A_42 : memref<1x80xi32, #tpu.memory_space<vmem>> -> memref<80xi32, #tpu.memory_space<vmem>>
      %dma_wait3A_44 = arith.constant 0 : i32
      %dma_wait3A_45 = arith.constant 0 : i32
      %dma_wait3A_46 = tpu.memref_slice %arg2[%arg0, %dma_wait3A_44, %dma_wait3A_45] : memref<2x10240x64xf32, #tpu.memory_space<hbm>> -> memref<1x10240x64xf32, #tpu.memory_space<hbm>>
      %dma_wait3A_47 = tpu.memref_squeeze %dma_wait3A_46 : memref<1x10240x64xf32, #tpu.memory_space<hbm>> -> memref<10240x64xf32, #tpu.memory_space<hbm>>
      %dma_wait3A_48 = arith.constant 0 : i32
      %dma_wait3A_49 = arith.constant 0 : i32
      %dma_wait3A_50 = tpu.memref_slice %dma_wait3A_47[%dma_wait3A_48, %dma_wait3A_49] : memref<10240x64xf32, #tpu.memory_space<hbm>> -> memref<10240x64xf32, #tpu.memory_space<hbm>>
      tpu.wait_indirect_dma semaphore(%arg15 : memref<!tpu.dma_semaphore, #tpu.memory_space<semaphore_mem>>) src(%dma_wait3A_50 : memref<10240x64xf32, #tpu.memory_space<hbm>>) dst(%arg10 : memref<80x64xf32, #tpu.memory_space<vmem>>)
      "tpu.region"() ({
        %run_scoped3A = tpu.sem_alloc : memref<!tpu.dma_semaphore, #tpu.memory_space<semaphore_mem>>
        %dma_start3A_51 = arith.constant 0 : i32
        %dma_start3A_52 = tpu.memref_slice %arg9[%add3A_29, %dma_start3A_51] : memref<250x80xi32, #tpu.memory_space<vmem>> -> memref<1x80xi32, #tpu.memory_space<vmem>>
        %dma_start3A_53 = tpu.memref_squeeze %dma_start3A_52 : memref<1x80xi32, #tpu.memory_space<vmem>> -> memref<80xi32, #tpu.memory_space<vmem>>
        %dma_start3A_54 = arith.constant 0 : i32
        %dma_start3A_55 = arith.constant 0 : i32
        %dma_start3A_56 = tpu.memref_slice %arg14[%dma_start3A_54, %dma_start3A_55] : memref<10240x64xf32, #tpu.memory_space<vmem_shared>> -> memref<10240x64xf32, #tpu.memory_space<vmem_shared>>
        tpu.enqueue_indirect_dma source(%arg10 : memref<80x64xf32, #tpu.memory_space<vmem>>) target(%dma_start3A_56 : memref<10240x64xf32, #tpu.memory_space<vmem_shared>>) offsets(%dma_start3A_53 : memref<80xi32, #tpu.memory_space<vmem>>) semaphore(%run_scoped3A : memref<!tpu.dma_semaphore, #tpu.memory_space<semaphore_mem>>) {add = true}
        %dma_wait3A_57 = arith.constant 0 : i32
        %dma_wait3A_58 = tpu.memref_slice %arg9[%add3A_29, %dma_wait3A_57] : memref<250x80xi32, #tpu.memory_space<vmem>> -> memref<1x80xi32, #tpu.memory_space<vmem>>
        %dma_wait3A_59 = tpu.memref_squeeze %dma_wait3A_58 : memref<1x80xi32, #tpu.memory_space<vmem>> -> memref<80xi32, #tpu.memory_space<vmem>>
        %dma_wait3A_60 = arith.constant 0 : i32
        %dma_wait3A_61 = arith.constant 0 : i32
        %dma_wait3A_62 = tpu.memref_slice %arg14[%dma_wait3A_60, %dma_wait3A_61] : memref<10240x64xf32, #tpu.memory_space<vmem_shared>> -> memref<10240x64xf32, #tpu.memory_space<vmem_shared>>
        tpu.wait_indirect_dma semaphore(%run_scoped3A : memref<!tpu.dma_semaphore, #tpu.memory_space<semaphore_mem>>) src(%arg10 : memref<80x64xf32, #tpu.memory_space<vmem>>) dst(%dma_wait3A_62 : memref<10240x64xf32, #tpu.memory_space<vmem_shared>>)
        tpu.yield
      }) : () -> ()
    }
    %scan3A_20 = arith.constant 250 : i32
    %barrier3A_21 = arith.constant 0 : index
    tpu.barrier barrier_id(%barrier3A_21)
    %mul3A_22 = arith.constant 640 : i32
    %mul3A_23 = arith.muli %arg1, %mul3A_22 : i32
    %mul3A_24 = arith.constant 640 : i32
    %mul3A_25 = arith.muli %arg1, %mul3A_24 : i32
    "tpu.region"() ({
      %run_scoped3A = tpu.sem_alloc : memref<!tpu.dma_semaphore, #tpu.memory_space<semaphore_mem>>
      %dma_start3A = arith.constant 0 : i32
      %dma_start3A_26 = arith.constant 0 : i32
      %dma_start3A_27 = tpu.memref_slice %arg6[%arg0, %dma_start3A, %dma_start3A_26] : memref<2x10240x64xf32, #tpu.memory_space<hbm>> -> memref<1x10240x64xf32, #tpu.memory_space<hbm>>
      %dma_start3A_28 = tpu.memref_squeeze %dma_start3A_27 : memref<1x10240x64xf32, #tpu.memory_space<hbm>> -> memref<10240x64xf32, #tpu.memory_space<hbm>>
      %dma_start3A_29 = arith.constant 0 : i32
      %dma_start3A_30 = tpu.memref_slice %dma_start3A_28[%mul3A_25, %dma_start3A_29] : memref<10240x64xf32, #tpu.memory_space<hbm>> -> memref<640x64xf32, #tpu.memory_space<hbm>>
      %dma_start3A_31 = arith.constant 0 : i32
      %dma_start3A_32 = tpu.memref_slice %arg14[%mul3A_23, %dma_start3A_31] : memref<10240x64xf32, #tpu.memory_space<vmem_shared>> -> memref<640x64xf32, #tpu.memory_space<vmem_shared>>
      tpu.enqueue_dma source(%dma_start3A_32 : memref<640x64xf32, #tpu.memory_space<vmem_shared>>) target(%dma_start3A_30 : memref<640x64xf32, #tpu.memory_space<hbm>>) target_semaphore(%run_scoped3A : memref<!tpu.dma_semaphore, #tpu.memory_space<semaphore_mem>>)
      %dma_wait3A = arith.constant 0 : i32
      %dma_wait3A_33 = arith.constant 0 : i32
      %dma_wait3A_34 = tpu.memref_slice %arg6[%arg0, %dma_wait3A, %dma_wait3A_33] : memref<2x10240x64xf32, #tpu.memory_space<hbm>> -> memref<1x10240x64xf32, #tpu.memory_space<hbm>>
      %dma_wait3A_35 = tpu.memref_squeeze %dma_wait3A_34 : memref<1x10240x64xf32, #tpu.memory_space<hbm>> -> memref<10240x64xf32, #tpu.memory_space<hbm>>
      %dma_wait3A_36 = arith.constant 0 : i32
      %dma_wait3A_37 = tpu.memref_slice %dma_wait3A_35[%mul3A_25, %dma_wait3A_36] : memref<10240x64xf32, #tpu.memory_space<hbm>> -> memref<640x64xf32, #tpu.memory_space<hbm>>
      %dma_wait3A_38 = arith.constant 0 : i32
      %dma_wait3A_39 = tpu.memref_slice %arg14[%mul3A_23, %dma_wait3A_38] : memref<10240x64xf32, #tpu.memory_space<vmem_shared>> -> memref<640x64xf32, #tpu.memory_space<vmem_shared>>
      tpu.wait_dma2 semaphore(%run_scoped3A : memref<!tpu.dma_semaphore, #tpu.memory_space<semaphore_mem>>) src(%dma_wait3A_39 : memref<640x64xf32, #tpu.memory_space<vmem_shared>>) dst(%dma_wait3A_37 : memref<640x64xf32, #tpu.memory_space<hbm>>)
      tpu.yield
    }) : () -> ()
    "tpu.region"() ({
      %run_scoped3A = tpu.sem_alloc : memref<!tpu.dma_semaphore, #tpu.memory_space<semaphore_mem>>
      %dma_start3A = arith.constant 0 : i32
      %dma_start3A_26 = arith.constant 0 : i32
      %dma_start3A_27 = tpu.memref_slice %arg7[%arg0, %dma_start3A, %dma_start3A_26] : memref<2x16x10240xf32, #tpu.memory_space<hbm>> -> memref<1x16x10240xf32, #tpu.memory_space<hbm>>
      %dma_start3A_28 = tpu.memref_squeeze %dma_start3A_27 : memref<1x16x10240xf32, #tpu.memory_space<hbm>> -> memref<16x10240xf32, #tpu.memory_space<hbm>>
      %dma_start3A_29 = arith.constant 0 : i32
      %dma_start3A_30 = tpu.memref_slice %dma_start3A_28[%arg1, %dma_start3A_29] : memref<16x10240xf32, #tpu.memory_space<hbm>> -> memref<1x10240xf32, #tpu.memory_space<hbm>>
      %dma_start3A_31 = tpu.memref_squeeze %dma_start3A_30 : memref<1x10240xf32, #tpu.memory_space<hbm>> -> memref<10240xf32, #tpu.memory_space<hbm>>
      %dma_start3A_32 = arith.constant 0 : i32
      %dma_start3A_33 = arith.constant 0 : i32
      %dma_start3A_34 = tpu.memref_slice %arg7[%arg0, %dma_start3A_32, %dma_start3A_33] : memref<2x16x10240xf32, #tpu.memory_space<hbm>> -> memref<1x16x10240xf32, #tpu.memory_space<hbm>>
      %dma_start3A_35 = tpu.memref_squeeze %dma_start3A_34 : memref<1x16x10240xf32, #tpu.memory_space<hbm>> -> memref<16x10240xf32, #tpu.memory_space<hbm>>
      %dma_start3A_36 = arith.constant 0 : i32
      %dma_start3A_37 = tpu.memref_slice %dma_start3A_35[%arg1, %dma_start3A_36] : memref<16x10240xf32, #tpu.memory_space<hbm>> -> memref<1x10240xf32, #tpu.memory_space<hbm>>
      %dma_start3A_38 = tpu.memref_squeeze %dma_start3A_37 : memref<1x10240xf32, #tpu.memory_space<hbm>> -> memref<10240xf32, #tpu.memory_space<hbm>>
      tpu.enqueue_dma source(%arg13 : memref<10240xf32, #tpu.memory_space<vmem>>) target(%dma_start3A_38 : memref<10240xf32, #tpu.memory_space<hbm>>) target_semaphore(%run_scoped3A : memref<!tpu.dma_semaphore, #tpu.memory_space<semaphore_mem>>)
      %dma_wait3A = arith.constant 0 : i32
      %dma_wait3A_39 = arith.constant 0 : i32
      %dma_wait3A_40 = tpu.memref_slice %arg7[%arg0, %dma_wait3A, %dma_wait3A_39] : memref<2x16x10240xf32, #tpu.memory_space<hbm>> -> memref<1x16x10240xf32, #tpu.memory_space<hbm>>
      %dma_wait3A_41 = tpu.memref_squeeze %dma_wait3A_40 : memref<1x16x10240xf32, #tpu.memory_space<hbm>> -> memref<16x10240xf32, #tpu.memory_space<hbm>>
      %dma_wait3A_42 = arith.constant 0 : i32
      %dma_wait3A_43 = tpu.memref_slice %dma_wait3A_41[%arg1, %dma_wait3A_42] : memref<16x10240xf32, #tpu.memory_space<hbm>> -> memref<1x10240xf32, #tpu.memory_space<hbm>>
      %dma_wait3A_44 = tpu.memref_squeeze %dma_wait3A_43 : memref<1x10240xf32, #tpu.memory_space<hbm>> -> memref<10240xf32, #tpu.memory_space<hbm>>
      %dma_wait3A_45 = arith.constant 0 : i32
      %dma_wait3A_46 = arith.constant 0 : i32
      %dma_wait3A_47 = tpu.memref_slice %arg7[%arg0, %dma_wait3A_45, %dma_wait3A_46] : memref<2x16x10240xf32, #tpu.memory_space<hbm>> -> memref<1x16x10240xf32, #tpu.memory_space<hbm>>
      %dma_wait3A_48 = tpu.memref_squeeze %dma_wait3A_47 : memref<1x16x10240xf32, #tpu.memory_space<hbm>> -> memref<16x10240xf32, #tpu.memory_space<hbm>>
      %dma_wait3A_49 = arith.constant 0 : i32
      %dma_wait3A_50 = tpu.memref_slice %dma_wait3A_48[%arg1, %dma_wait3A_49] : memref<16x10240xf32, #tpu.memory_space<hbm>> -> memref<1x10240xf32, #tpu.memory_space<hbm>>
      %dma_wait3A_51 = tpu.memref_squeeze %dma_wait3A_50 : memref<1x10240xf32, #tpu.memory_space<hbm>> -> memref<10240xf32, #tpu.memory_space<hbm>>
      tpu.wait_dma2 semaphore(%run_scoped3A : memref<!tpu.dma_semaphore, #tpu.memory_space<semaphore_mem>>) src(%arg13 : memref<10240xf32, #tpu.memory_space<vmem>>) dst(%dma_wait3A_51 : memref<10240xf32, #tpu.memory_space<hbm>>)
      tpu.yield
    }) : () -> ()
    return
  }
}

#map = affine_map<(d0, d1) -> (0, 0, 0)>
#map1 = affine_map<(d0, d1) -> (0)>
module attributes {stable_mosaic.version = 14 : i64} {
  func.func @sc_kernel(%arg0: i32, %arg1: i32, %arg2: memref<2x10240x64xf32, #tpu.memory_space<hbm>>, %arg3: memref<10240xf32, #tpu.memory_space<hbm>>, %arg4: memref<16x250x80xi32, #tpu.memory_space<hbm>>, %arg5: memref<16x250x80xi32, #tpu.memory_space<hbm>>, %arg6: memref<2x10240x64xf32, #tpu.memory_space<hbm>>, %arg7: memref<2x16x10240xf32, #tpu.memory_space<hbm>>, %arg8: memref<250x80xi32, #tpu.memory_space<vmem>>, %arg9: memref<250x80xi32, #tpu.memory_space<vmem>>, %arg10: memref<80x64xf32, #tpu.memory_space<vmem>>, %arg11: memref<128x64xf32, #tpu.memory_space<vmem>>, %arg12: memref<10240xf32, #tpu.memory_space<vmem>>, %arg13: memref<10240xf32, #tpu.memory_space<vmem>>, %arg14: memref<10240x64xf32, #tpu.memory_space<vmem_shared>>, %arg15: memref<!tpu.dma_semaphore, #tpu.memory_space<semaphore_mem>>) attributes {dimension_semantics = [#tpu.dimension_semantics<core_parallel>, #tpu.dimension_semantics<subcore_parallel>], iteration_bounds = array<i64: 2, 16>, scalar_prefetch = 0 : i64, scratch_operands = 8 : i64, tpu.core_type = #tpu.core_type<sc_vector_subcore>, window_params = [{transform_indices = #map}, {transform_indices = #map1}, {transform_indices = #map}, {transform_indices = #map}, {transform_indices = #map}, {transform_indices = #map}]} {
    %broadcast_in_dim3A = arith.constant 0.000000e+00 : f32
    %broadcast_in_dim3A_0 = vector.broadcast %broadcast_in_dim3A : f32 to vector<16xf32>
    %scan3A = arith.constant 0 : i32
    %scan3A_1 = arith.constant 128 : i32
    %scan3A_2 = arith.addi %scan3A, %scan3A_1 : i32
    %scan3A_3 = arith.constant 1 : i32
    scf.for %scan3A_26 = %scan3A to %scan3A_2 step %scan3A_3  : i32 {
      %mul3A_27 = arith.constant 1 : i32
      %mul3A_28 = arith.muli %scan3A_26, %mul3A_27 : i32
      %add3A = arith.constant 0 : i32
      %add3A_29 = arith.addi %add3A, %mul3A_28 : i32
      %scan3A_30 = arith.constant 0 : i32
      %scan3A_31 = arith.constant 4 : i32
      %scan3A_32 = arith.addi %scan3A_30, %scan3A_31 : i32
      %scan3A_33 = arith.constant 1 : i32
      scf.for %scan3A_35 = %scan3A_30 to %scan3A_32 step %scan3A_33  : i32 {
        %mul3A_36 = arith.constant 16 : i32
        %mul3A_37 = arith.muli %scan3A_35, %mul3A_36 : i32
        %add3A_38 = arith.constant 0 : i32
        %add3A_39 = arith.addi %add3A_38, %mul3A_37 : i32
        %swap3A = arith.index_cast %add3A_29 : i32 to index
        %swap3A_40 = arith.index_cast %add3A_39 : i32 to index
        %swap3A_41 = tpu.vector_load %arg11[%swap3A, %swap3A_40] {strides = array<i32>} : memref<128x64xf32, #tpu.memory_space<vmem>>, vector<16xf32>,
        tpu.vector_store %arg11[%swap3A, %swap3A_40], %broadcast_in_dim3A_0 {strides = array<i32>} : memref<128x64xf32, #tpu.memory_space<vmem>>, vector<16xf32>,
      }
      %scan3A_34 = arith.constant 4 : i32
    }
    %scan3A_4 = arith.constant 128 : i32
    %scan3A_5 = arith.constant 0 : i32
    %scan3A_6 = arith.constant 640 : i32
    %scan3A_7 = arith.addi %scan3A_5, %scan3A_6 : i32
    %scan3A_8 = arith.constant 1 : i32
    scf.for %scan3A_26 = %scan3A_5 to %scan3A_7 step %scan3A_8  : i32 {
      %mul3A_27 = arith.constant 16 : i32
      %mul3A_28 = arith.muli %scan3A_26, %mul3A_27 : i32
      %add3A = arith.constant 0 : i32
      %add3A_29 = arith.addi %add3A, %mul3A_28 : i32
      %swap3A = arith.index_cast %add3A_29 : i32 to index
      %swap3A_30 = tpu.vector_load %arg13[%swap3A] {strides = array<i32>} : memref<10240xf32, #tpu.memory_space<vmem>>, vector<16xf32>,
      tpu.vector_store %arg13[%swap3A], %broadcast_in_dim3A_0 {strides = array<i32>} : memref<10240xf32, #tpu.memory_space<vmem>>, vector<16xf32>,
    }
    %scan3A_9 = arith.constant 640 : i32
    %scan3A_10 = arith.constant 0 : i32
    %scan3A_11 = arith.constant 5 : i32
    %scan3A_12 = arith.addi %scan3A_10, %scan3A_11 : i32
    %scan3A_13 = arith.constant 1 : i32
    scf.for %scan3A_26 = %scan3A_10 to %scan3A_12 step %scan3A_13  : i32 {
      %mul3A_27 = arith.constant 128 : i32
      %mul3A_28 = arith.muli %scan3A_26, %mul3A_27 : i32
      %add3A = arith.constant 0 : i32
      %add3A_29 = arith.addi %add3A, %mul3A_28 : i32
      %mul3A_30 = arith.constant 640 : i32
      %mul3A_31 = arith.muli %arg1, %mul3A_30 : i32
      %add3A_32 = arith.addi %mul3A_31, %add3A_29 : i32
      "tpu.region"() ({
        %run_scoped3A = tpu.sem_alloc : memref<!tpu.dma_semaphore, #tpu.memory_space<semaphore_mem>>
        %dma_start3A = arith.constant 0 : i32
        %dma_start3A_33 = tpu.memref_slice %arg14[%add3A_32, %dma_start3A] : memref<10240x64xf32, #tpu.memory_space<vmem_shared>> -> memref<128x64xf32, #tpu.memory_space<vmem_shared>>
        %dma_start3A_34 = arith.constant 0 : i32
        %dma_start3A_35 = tpu.memref_slice %arg14[%add3A_32, %dma_start3A_34] : memref<10240x64xf32, #tpu.memory_space<vmem_shared>> -> memref<128x64xf32, #tpu.memory_space<vmem_shared>>
        tpu.enqueue_dma source(%arg11 : memref<128x64xf32, #tpu.memory_space<vmem>>) target(%dma_start3A_35 : memref<128x64xf32, #tpu.memory_space<vmem_shared>>) target_semaphore(%run_scoped3A : memref<!tpu.dma_semaphore, #tpu.memory_space<semaphore_mem>>)
        %dma_wait3A = arith.constant 0 : i32
        %dma_wait3A_36 = tpu.memref_slice %arg14[%add3A_32, %dma_wait3A] : memref<10240x64xf32, #tpu.memory_space<vmem_shared>> -> memref<128x64xf32, #tpu.memory_space<vmem_shared>>
        %dma_wait3A_37 = arith.constant 0 : i32
        %dma_wait3A_38 = tpu.memref_slice %arg14[%add3A_32, %dma_wait3A_37] : memref<10240x64xf32, #tpu.memory_space<vmem_shared>> -> memref<128x64xf32, #tpu.memory_space<vmem_shared>>
        tpu.wait_dma2 semaphore(%run_scoped3A : memref<!tpu.dma_semaphore, #tpu.memory_space<semaphore_mem>>) src(%arg11 : memref<128x64xf32, #tpu.memory_space<vmem>>) dst(%dma_wait3A_38 : memref<128x64xf32, #tpu.memory_space<vmem_shared>>)
        tpu.yield
      }) : () -> ()
    }
    %scan3A_14 = arith.constant 5 : i32
    %barrier3A = arith.constant 0 : index
    tpu.barrier barrier_id(%barrier3A)
    "tpu.region"() ({
      %run_scoped3A = tpu.sem_alloc : memref<!tpu.dma_semaphore, #tpu.memory_space<semaphore_mem>>
      %dma_start3A = arith.constant 0 : i32
      %dma_start3A_26 = arith.constant 0 : i32
      %dma_start3A_27 = tpu.memref_slice %arg4[%arg1, %dma_start3A, %dma_start3A_26] : memref<16x250x80xi32, #tpu.memory_space<hbm>> -> memref<1x250x80xi32, #tpu.memory_space<hbm>>
      %dma_start3A_28 = tpu.memref_squeeze %dma_start3A_27 : memref<1x250x80xi32, #tpu.memory_space<hbm>> -> memref<250x80xi32, #tpu.memory_space<hbm>>
      %dma_start3A_29 = arith.constant 0 : i32
      %dma_start3A_30 = arith.constant 0 : i32
      %dma_start3A_31 = tpu.memref_slice %arg4[%arg1, %dma_start3A_29, %dma_start3A_30] : memref<16x250x80xi32, #tpu.memory_space<hbm>> -> memref<1x250x80xi32, #tpu.memory_space<hbm>>
      %dma_start3A_32 = tpu.memref_squeeze %dma_start3A_31 : memref<1x250x80xi32, #tpu.memory_space<hbm>> -> memref<250x80xi32, #tpu.memory_space<hbm>>
      tpu.enqueue_dma source(%dma_start3A_32 : memref<250x80xi32, #tpu.memory_space<hbm>>) target(%arg8 : memref<250x80xi32, #tpu.memory_space<vmem>>) target_semaphore(%run_scoped3A : memref<!tpu.dma_semaphore, #tpu.memory_space<semaphore_mem>>)
      %dma_wait3A = arith.constant 0 : i32
      %dma_wait3A_33 = arith.constant 0 : i32
      %dma_wait3A_34 = tpu.memref_slice %arg4[%arg1, %dma_wait3A, %dma_wait3A_33] : memref<16x250x80xi32, #tpu.memory_space<hbm>> -> memref<1x250x80xi32, #tpu.memory_space<hbm>>
      %dma_wait3A_35 = tpu.memref_squeeze %dma_wait3A_34 : memref<1x250x80xi32, #tpu.memory_space<hbm>> -> memref<250x80xi32, #tpu.memory_space<hbm>>
      %dma_wait3A_36 = arith.constant 0 : i32
      %dma_wait3A_37 = arith.constant 0 : i32
      %dma_wait3A_38 = tpu.memref_slice %arg4[%arg1, %dma_wait3A_36, %dma_wait3A_37] : memref<16x250x80xi32, #tpu.memory_space<hbm>> -> memref<1x250x80xi32, #tpu.memory_space<hbm>>
      %dma_wait3A_39 = tpu.memref_squeeze %dma_wait3A_38 : memref<1x250x80xi32, #tpu.memory_space<hbm>> -> memref<250x80xi32, #tpu.memory_space<hbm>>
      tpu.wait_dma2 semaphore(%run_scoped3A : memref<!tpu.dma_semaphore, #tpu.memory_space<semaphore_mem>>) src(%dma_wait3A_39 : memref<250x80xi32, #tpu.memory_space<hbm>>) dst(%arg8 : memref<250x80xi32, #tpu.memory_space<vmem>>)
      tpu.yield
    }) : () -> ()
    "tpu.region"() ({
      %run_scoped3A = tpu.sem_alloc : memref<!tpu.dma_semaphore, #tpu.memory_space<semaphore_mem>>
      %dma_start3A = arith.constant 0 : i32
      %dma_start3A_26 = arith.constant 0 : i32
      %dma_start3A_27 = tpu.memref_slice %arg5[%arg1, %dma_start3A, %dma_start3A_26] : memref<16x250x80xi32, #tpu.memory_space<hbm>> -> memref<1x250x80xi32, #tpu.memory_space<hbm>>
      %dma_start3A_28 = tpu.memref_squeeze %dma_start3A_27 : memref<1x250x80xi32, #tpu.memory_space<hbm>> -> memref<250x80xi32, #tpu.memory_space<hbm>>
      %dma_start3A_29 = arith.constant 0 : i32
      %dma_start3A_30 = arith.constant 0 : i32
      %dma_start3A_31 = tpu.memref_slice %arg5[%arg1, %dma_start3A_29, %dma_start3A_30] : memref<16x250x80xi32, #tpu.memory_space<hbm>> -> memref<1x250x80xi32, #tpu.memory_space<hbm>>
      %dma_start3A_32 = tpu.memref_squeeze %dma_start3A_31 : memref<1x250x80xi32, #tpu.memory_space<hbm>> -> memref<250x80xi32, #tpu.memory_space<hbm>>
      tpu.enqueue_dma source(%dma_start3A_32 : memref<250x80xi32, #tpu.memory_space<hbm>>) target(%arg9 : memref<250x80xi32, #tpu.memory_space<vmem>>) target_semaphore(%run_scoped3A : memref<!tpu.dma_semaphore, #tpu.memory_space<semaphore_mem>>)
      %dma_wait3A = arith.constant 0 : i32
      %dma_wait3A_33 = arith.constant 0 : i32
      %dma_wait3A_34 = tpu.memref_slice %arg5[%arg1, %dma_wait3A, %dma_wait3A_33] : memref<16x250x80xi32, #tpu.memory_space<hbm>> -> memref<1x250x80xi32, #tpu.memory_space<hbm>>
      %dma_wait3A_35 = tpu.memref_squeeze %dma_wait3A_34 : memref<1x250x80xi32, #tpu.memory_space<hbm>> -> memref<250x80xi32, #tpu.memory_space<hbm>>
      %dma_wait3A_36 = arith.constant 0 : i32
      %dma_wait3A_37 = arith.constant 0 : i32
      %dma_wait3A_38 = tpu.memref_slice %arg5[%arg1, %dma_wait3A_36, %dma_wait3A_37] : memref<16x250x80xi32, #tpu.memory_space<hbm>> -> memref<1x250x80xi32, #tpu.memory_space<hbm>>
      %dma_wait3A_39 = tpu.memref_squeeze %dma_wait3A_38 : memref<1x250x80xi32, #tpu.memory_space<hbm>> -> memref<250x80xi32, #tpu.memory_space<hbm>>
      tpu.wait_dma2 semaphore(%run_scoped3A : memref<!tpu.dma_semaphore, #tpu.memory_space<semaphore_mem>>) src(%dma_wait3A_39 : memref<250x80xi32, #tpu.memory_space<hbm>>) dst(%arg9 : memref<250x80xi32, #tpu.memory_space<vmem>>)
      tpu.yield
    }) : () -> ()
    "tpu.region"() ({
      %run_scoped3A = tpu.sem_alloc : memref<!tpu.dma_semaphore, #tpu.memory_space<semaphore_mem>>
      tpu.enqueue_dma source(%arg3 : memref<10240xf32, #tpu.memory_space<hbm>>) target(%arg12 : memref<10240xf32, #tpu.memory_space<vmem>>) target_semaphore(%run_scoped3A : memref<!tpu.dma_semaphore, #tpu.memory_space<semaphore_mem>>)
      tpu.wait_dma2 semaphore(%run_scoped3A : memref<!tpu.dma_semaphore, #tpu.memory_space<semaphore_mem>>) src(%arg3 : memref<10240xf32, #tpu.memory_space<hbm>>) dst(%arg12 : memref<10240xf32, #tpu.memory_space<vmem>>)
      tpu.yield
    }) : () -> ()
    %mul3A = arith.constant 125 : i32
    %mul3A_15 = arith.muli %arg0, %mul3A : i32
    %scan3A_16 = arith.constant 0 : i32
    %scan3A_17 = arith.constant 250 : i32
    %scan3A_18 = arith.addi %scan3A_16, %scan3A_17 : i32
    %scan3A_19 = arith.constant 1 : i32
    scf.for %scan3A_26 = %scan3A_16 to %scan3A_18 step %scan3A_19  : i32 {
      %mul3A_27 = arith.constant 1 : i32
      %mul3A_28 = arith.muli %scan3A_26, %mul3A_27 : i32
      %add3A = arith.constant 0 : i32
      %add3A_29 = arith.addi %add3A, %mul3A_28 : i32
      %dma_start3A = arith.constant 0 : i32
      %dma_start3A_30 = tpu.memref_slice %arg8[%add3A_29, %dma_start3A] : memref<250x80xi32, #tpu.memory_space<vmem>> -> memref<1x80xi32, #tpu.memory_space<vmem>>
      %dma_start3A_31 = tpu.memref_squeeze %dma_start3A_30 : memref<1x80xi32, #tpu.memory_space<vmem>> -> memref<80xi32, #tpu.memory_space<vmem>>
      %dma_start3A_32 = arith.constant 0 : i32
      %dma_start3A_33 = arith.constant 0 : i32
      %dma_start3A_34 = tpu.memref_slice %arg2[%arg0, %dma_start3A_32, %dma_start3A_33] : memref<2x10240x64xf32, #tpu.memory_space<hbm>> -> memref<1x10240x64xf32, #tpu.memory_space<hbm>>
      %dma_start3A_35 = tpu.memref_squeeze %dma_start3A_34 : memref<1x10240x64xf32, #tpu.memory_space<hbm>> -> memref<10240x64xf32, #tpu.memory_space<hbm>>
      %dma_start3A_36 = arith.constant 0 : i32
      %dma_start3A_37 = arith.constant 0 : i32
      %dma_start3A_38 = tpu.memref_slice %dma_start3A_35[%dma_start3A_36, %dma_start3A_37] : memref<10240x64xf32, #tpu.memory_space<hbm>> -> memref<10240x64xf32, #tpu.memory_space<hbm>>
      tpu.enqueue_indirect_dma source(%dma_start3A_38 : memref<10240x64xf32, #tpu.memory_space<hbm>>) target(%arg10 : memref<80x64xf32, #tpu.memory_space<vmem>>) offsets(%dma_start3A_31 : memref<80xi32, #tpu.memory_space<vmem>>) semaphore(%arg15 : memref<!tpu.dma_semaphore, #tpu.memory_space<semaphore_mem>>)
      %ge3A = arith.cmpi sge, %add3A_29, %mul3A_15 : i32
      %add3A_39 = arith.constant 125 : i32
      %add3A_40 = arith.addi %mul3A_15, %add3A_39 : i32
      %lt3A = arith.cmpi slt, %add3A_29, %add3A_40 : i32
      %and3A = arith.andi %ge3A, %lt3A : i1
      %convert_element_type3A = arith.extui %and3A : i1 to i32
      %cond3A = arith.constant 0 : i32
      %cond3A_41 = arith.cmpi ne, %convert_element_type3A, %cond3A : i32
      scf.if %cond3A_41 {
        %scan3A_51 = arith.constant 0 : i32
        %scan3A_52 = arith.constant 5 : i32
        %scan3A_53 = arith.addi %scan3A_51, %scan3A_52 : i32
        %scan3A_54 = arith.constant 1 : i32
        scf.for %scan3A_56 = %scan3A_51 to %scan3A_53 step %scan3A_54  : i32 {
          %mul3A_57 = arith.constant 16 : i32
          %mul3A_58 = arith.muli %scan3A_56, %mul3A_57 : i32
          %add3A_59 = arith.constant 0 : i32
          %add3A_60 = arith.addi %add3A_59, %mul3A_58 : i32
          %get3A = arith.index_cast %add3A_29 : i32 to index
          %get3A_61 = arith.index_cast %add3A_60 : i32 to index
          %get3A_62 = tpu.vector_load %arg8[%get3A, %get3A_61] {strides = array<i32>} : memref<250x80xi32, #tpu.memory_space<vmem>>, vector<16xi32>,
          %get3A_63 = arith.index_cast %add3A_29 : i32 to index
          %get3A_64 = arith.index_cast %add3A_60 : i32 to index
          %get3A_65 = tpu.vector_load %arg9[%get3A_63, %get3A_64] {strides = array<i32>} : memref<250x80xi32, #tpu.memory_space<vmem>>, vector<16xi32>,
          %gather3A = tpu.vector_load_idx %arg12[%get3A_62] : memref<10240xf32, #tpu.memory_space<vmem>>[vector<16xi32>], vector<16xf32>,
          tpu.vector_store_idx %arg13[%get3A_65], %gather3A {add = true} : memref<10240xf32, #tpu.memory_space<vmem>>[vector<16xi32>], vector<16xf32>,
        }
        %scan3A_55 = arith.constant 5 : i32
      } else {
      }
      %dma_wait3A = arith.constant 0 : i32
      %dma_wait3A_42 = tpu.memref_slice %arg8[%add3A_29, %dma_wait3A] : memref<250x80xi32, #tpu.memory_space<vmem>> -> memref<1x80xi32, #tpu.memory_space<vmem>>
      %dma_wait3A_43 = tpu.memref_squeeze %dma_wait3A_42 : memref<1x80xi32, #tpu.memory_space<vmem>> -> memref<80xi32, #tpu.memory_space<vmem>>
      %dma_wait3A_44 = arith.constant 0 : i32
      %dma_wait3A_45 = arith.constant 0 : i32
      %dma_wait3A_46 = tpu.memref_slice %arg2[%arg0, %dma_wait3A_44, %dma_wait3A_45] : memref<2x10240x64xf32, #tpu.memory_space<hbm>> -> memref<1x10240x64xf32, #tpu.memory_space<hbm>>
      %dma_wait3A_47 = tpu.memref_squeeze %dma_wait3A_46 : memref<1x10240x64xf32, #tpu.memory_space<hbm>> -> memref<10240x64xf32, #tpu.memory_space<hbm>>
      %dma_wait3A_48 = arith.constant 0 : i32
      %dma_wait3A_49 = arith.constant 0 : i32
      %dma_wait3A_50 = tpu.memref_slice %dma_wait3A_47[%dma_wait3A_48, %dma_wait3A_49] : memref<10240x64xf32, #tpu.memory_space<hbm>> -> memref<10240x64xf32, #tpu.memory_space<hbm>>
      tpu.wait_indirect_dma semaphore(%arg15 : memref<!tpu.dma_semaphore, #tpu.memory_space<semaphore_mem>>) src(%dma_wait3A_50 : memref<10240x64xf32, #tpu.memory_space<hbm>>) dst(%arg10 : memref<80x64xf32, #tpu.memory_space<vmem>>)
      "tpu.region"() ({
        %run_scoped3A = tpu.sem_alloc : memref<!tpu.dma_semaphore, #tpu.memory_space<semaphore_mem>>
        %dma_start3A_51 = arith.constant 0 : i32
        %dma_start3A_52 = tpu.memref_slice %arg9[%add3A_29, %dma_start3A_51] : memref<250x80xi32, #tpu.memory_space<vmem>> -> memref<1x80xi32, #tpu.memory_space<vmem>>
        %dma_start3A_53 = tpu.memref_squeeze %dma_start3A_52 : memref<1x80xi32, #tpu.memory_space<vmem>> -> memref<80xi32, #tpu.memory_space<vmem>>
        %dma_start3A_54 = arith.constant 0 : i32
        %dma_start3A_55 = arith.constant 0 : i32
        %dma_start3A_56 = tpu.memref_slice %arg14[%dma_start3A_54, %dma_start3A_55] : memref<10240x64xf32, #tpu.memory_space<vmem_shared>> -> memref<10240x64xf32, #tpu.memory_space<vmem_shared>>
        tpu.enqueue_indirect_dma source(%arg10 : memref<80x64xf32, #tpu.memory_space<vmem>>) target(%dma_start3A_56 : memref<10240x64xf32, #tpu.memory_space<vmem_shared>>) offsets(%dma_start3A_53 : memref<80xi32, #tpu.memory_space<vmem>>) semaphore(%run_scoped3A : memref<!tpu.dma_semaphore, #tpu.memory_space<semaphore_mem>>) {add = true}
        %dma_wait3A_57 = arith.constant 0 : i32
        %dma_wait3A_58 = tpu.memref_slice %arg9[%add3A_29, %dma_wait3A_57] : memref<250x80xi32, #tpu.memory_space<vmem>> -> memref<1x80xi32, #tpu.memory_space<vmem>>
        %dma_wait3A_59 = tpu.memref_squeeze %dma_wait3A_58 : memref<1x80xi32, #tpu.memory_space<vmem>> -> memref<80xi32, #tpu.memory_space<vmem>>
        %dma_wait3A_60 = arith.constant 0 : i32
        %dma_wait3A_61 = arith.constant 0 : i32
        %dma_wait3A_62 = tpu.memref_slice %arg14[%dma_wait3A_60, %dma_wait3A_61] : memref<10240x64xf32, #tpu.memory_space<vmem_shared>> -> memref<10240x64xf32, #tpu.memory_space<vmem_shared>>
        tpu.wait_indirect_dma semaphore(%run_scoped3A : memref<!tpu.dma_semaphore, #tpu.memory_space<semaphore_mem>>) src(%arg10 : memref<80x64xf32, #tpu.memory_space<vmem>>) dst(%dma_wait3A_62 : memref<10240x64xf32, #tpu.memory_space<vmem_shared>>)
        tpu.yield
      }) : () -> ()
    }
    %scan3A_20 = arith.constant 250 : i32
    %barrier3A_21 = arith.constant 0 : index
    tpu.barrier barrier_id(%barrier3A_21)
    %mul3A_22 = arith.constant 640 : i32
    %mul3A_23 = arith.muli %arg1, %mul3A_22 : i32
    %mul3A_24 = arith.constant 640 : i32
    %mul3A_25 = arith.muli %arg1, %mul3A_24 : i32
    "tpu.region"() ({
      %run_scoped3A = tpu.sem_alloc : memref<!tpu.dma_semaphore, #tpu.memory_space<semaphore_mem>>
      %dma_start3A = arith.constant 0 : i32
      %dma_start3A_26 = arith.constant 0 : i32
      %dma_start3A_27 = tpu.memref_slice %arg6[%arg0, %dma_start3A, %dma_start3A_26] : memref<2x10240x64xf32, #tpu.memory_space<hbm>> -> memref<1x10240x64xf32, #tpu.memory_space<hbm>>
      %dma_start3A_28 = tpu.memref_squeeze %dma_start3A_27 : memref<1x10240x64xf32, #tpu.memory_space<hbm>> -> memref<10240x64xf32, #tpu.memory_space<hbm>>
      %dma_start3A_29 = arith.constant 0 : i32
      %dma_start3A_30 = tpu.memref_slice %dma_start3A_28[%mul3A_25, %dma_start3A_29] : memref<10240x64xf32, #tpu.memory_space<hbm>> -> memref<640x64xf32, #tpu.memory_space<hbm>>
      %dma_start3A_31 = arith.constant 0 : i32
      %dma_start3A_32 = tpu.memref_slice %arg14[%mul3A_23, %dma_start3A_31] : memref<10240x64xf32, #tpu.memory_space<vmem_shared>> -> memref<640x64xf32, #tpu.memory_space<vmem_shared>>
      tpu.enqueue_dma source(%dma_start3A_32 : memref<640x64xf32, #tpu.memory_space<vmem_shared>>) target(%dma_start3A_30 : memref<640x64xf32, #tpu.memory_space<hbm>>) target_semaphore(%run_scoped3A : memref<!tpu.dma_semaphore, #tpu.memory_space<semaphore_mem>>)
      %dma_wait3A = arith.constant 0 : i32
      %dma_wait3A_33 = arith.constant 0 : i32
      %dma_wait3A_34 = tpu.memref_slice %arg6[%arg0, %dma_wait3A, %dma_wait3A_33] : memref<2x10240x64xf32, #tpu.memory_space<hbm>> -> memref<1x10240x64xf32, #tpu.memory_space<hbm>>
      %dma_wait3A_35 = tpu.memref_squeeze %dma_wait3A_34 : memref<1x10240x64xf32, #tpu.memory_space<hbm>> -> memref<10240x64xf32, #tpu.memory_space<hbm>>
      %dma_wait3A_36 = arith.constant 0 : i32
      %dma_wait3A_37 = tpu.memref_slice %dma_wait3A_35[%mul3A_25, %dma_wait3A_36] : memref<10240x64xf32, #tpu.memory_space<hbm>> -> memref<640x64xf32, #tpu.memory_space<hbm>>
      %dma_wait3A_38 = arith.constant 0 : i32
      %dma_wait3A_39 = tpu.memref_slice %arg14[%mul3A_23, %dma_wait3A_38] : memref<10240x64xf32, #tpu.memory_space<vmem_shared>> -> memref<640x64xf32, #tpu.memory_space<vmem_shared>>
      tpu.wait_dma2 semaphore(%run_scoped3A : memref<!tpu.dma_semaphore, #tpu.memory_space<semaphore_mem>>) src(%dma_wait3A_39 : memref<640x64xf32, #tpu.memory_space<vmem_shared>>) dst(%dma_wait3A_37 : memref<640x64xf32, #tpu.memory_space<hbm>>)
      tpu.yield
    }) : () -> ()
    "tpu.region"() ({
      %run_scoped3A = tpu.sem_alloc : memref<!tpu.dma_semaphore, #tpu.memory_space<semaphore_mem>>
      %dma_start3A = arith.constant 0 : i32
      %dma_start3A_26 = arith.constant 0 : i32
      %dma_start3A_27 = tpu.memref_slice %arg7[%arg0, %dma_start3A, %dma_start3A_26] : memref<2x16x10240xf32, #tpu.memory_space<hbm>> -> memref<1x16x10240xf32, #tpu.memory_space<hbm>>
      %dma_start3A_28 = tpu.memref_squeeze %dma_start3A_27 : memref<1x16x10240xf32, #tpu.memory_space<hbm>> -> memref<16x10240xf32, #tpu.memory_space<hbm>>
      %dma_start3A_29 = arith.constant 0 : i32
      %dma_start3A_30 = tpu.memref_slice %dma_start3A_28[%arg1, %dma_start3A_29] : memref<16x10240xf32, #tpu.memory_space<hbm>> -> memref<1x10240xf32, #tpu.memory_space<hbm>>
      %dma_start3A_31 = tpu.memref_squeeze %dma_start3A_30 : memref<1x10240xf32, #tpu.memory_space<hbm>> -> memref<10240xf32, #tpu.memory_space<hbm>>
      %dma_start3A_32 = arith.constant 0 : i32
      %dma_start3A_33 = arith.constant 0 : i32
      %dma_start3A_34 = tpu.memref_slice %arg7[%arg0, %dma_start3A_32, %dma_start3A_33] : memref<2x16x10240xf32, #tpu.memory_space<hbm>> -> memref<1x16x10240xf32, #tpu.memory_space<hbm>>
      %dma_start3A_35 = tpu.memref_squeeze %dma_start3A_34 : memref<1x16x10240xf32, #tpu.memory_space<hbm>> -> memref<16x10240xf32, #tpu.memory_space<hbm>>
      %dma_start3A_36 = arith.constant 0 : i32
      %dma_start3A_37 = tpu.memref_slice %dma_start3A_35[%arg1, %dma_start3A_36] : memref<16x10240xf32, #tpu.memory_space<hbm>> -> memref<1x10240xf32, #tpu.memory_space<hbm>>
      %dma_start3A_38 = tpu.memref_squeeze %dma_start3A_37 : memref<1x10240xf32, #tpu.memory_space<hbm>> -> memref<10240xf32, #tpu.memory_space<hbm>>
      tpu.enqueue_dma source(%arg13 : memref<10240xf32, #tpu.memory_space<vmem>>) target(%dma_start3A_38 : memref<10240xf32, #tpu.memory_space<hbm>>) target_semaphore(%run_scoped3A : memref<!tpu.dma_semaphore, #tpu.memory_space<semaphore_mem>>)
      %dma_wait3A = arith.constant 0 : i32
      %dma_wait3A_39 = arith.constant 0 : i32
      %dma_wait3A_40 = tpu.memref_slice %arg7[%arg0, %dma_wait3A, %dma_wait3A_39] : memref<2x16x10240xf32, #tpu.memory_space<hbm>> -> memref<1x16x10240xf32, #tpu.memory_space<hbm>>
      %dma_wait3A_41 = tpu.memref_squeeze %dma_wait3A_40 : memref<1x16x10240xf32, #tpu.memory_space<hbm>> -> memref<16x10240xf32, #tpu.memory_space<hbm>>
      %dma_wait3A_42 = arith.constant 0 : i32
      %dma_wait3A_43 = tpu.memref_slice %dma_wait3A_41[%arg1, %dma_wait3A_42] : memref<16x10240xf32, #tpu.memory_space<hbm>> -> memref<1x10240xf32, #tpu.memory_space<hbm>>
      %dma_wait3A_44 = tpu.memref_squeeze %dma_wait3A_43 : memref<1x10240xf32, #tpu.memory_space<hbm>> -> memref<10240xf32, #tpu.memory_space<hbm>>
      %dma_wait3A_45 = arith.constant 0 : i32
      %dma_wait3A_46 = arith.constant 0 : i32
      %dma_wait3A_47 = tpu.memref_slice %arg7[%arg0, %dma_wait3A_45, %dma_wait3A_46] : memref<2x16x10240xf32, #tpu.memory_space<hbm>> -> memref<1x16x10240xf32, #tpu.memory_space<hbm>>
      %dma_wait3A_48 = tpu.memref_squeeze %dma_wait3A_47 : memref<1x16x10240xf32, #tpu.memory_space<hbm>> -> memref<16x10240xf32, #tpu.memory_space<hbm>>
      %dma_wait3A_49 = arith.constant 0 : i32
      %dma_wait3A_50 = tpu.memref_slice %dma_wait3A_48[%arg1, %dma_wait3A_49] : memref<16x10240xf32, #tpu.memory_space<hbm>> -> memref<1x10240xf32, #tpu.memory_space<hbm>>
      %dma_wait3A_51 = tpu.memref_squeeze %dma_wait3A_50 : memref<1x10240xf32, #tpu.memory_space<hbm>> -> memref<10240xf32, #tpu.memory_space<hbm>>
      tpu.wait_dma2 semaphore(%run_scoped3A : memref<!tpu.dma_semaphore, #tpu.memory_space<semaphore_mem>>) src(%arg13 : memref<10240xf32, #tpu.memory_space<vmem>>) dst(%dma_wait3A_51 : memref<10240xf32, #tpu.memory_space<hbm>>)
      tpu.yield
    }) : () -> ()
    return
  }
}

module attributes {stable_mosaic.version = 14 : i64} {
  func.func @_prologue_body(%arg0: i32, %arg1: memref<1024x128xf32, #tpu.memory_space<vmem>>, %arg2: memref<1024x128xf32, #tpu.memory_space<vmem>>, %arg3: memref<1x256xf32, #tpu.memory_space<vmem>>, %arg4: memref<2x1024x64xf32, #tpu.memory_space<vmem>>, %arg5: memref<1024xf32, #tpu.memory_space<vmem>>) attributes {dimension_semantics = [#tpu.dimension_semantics<arbitrary>], iteration_bounds = array<i64: 10>, scalar_prefetch = 0 : i64, scratch_operands = 0 : i64, tpu.core_type = #tpu.core_type<tc>, window_params = [{transform_indices = @transform_0, window_bounds = array<i64: 1024, 128>}, {transform_indices = @transform_1, window_bounds = array<i64: 1024, 128>}, {pipeline_mode = #tpu.pipeline_mode<synchronous>, transform_indices = @transform_2, window_bounds = array<i64: 1, 256>}, {transform_indices = @transform_3, window_bounds = array<i64: 2, 1024, 64>}, {transform_indices = @transform_4, window_bounds = array<i64: 1024>}]} {
    %get3A = arith.constant 0 : index
    %get3A_0 = arith.constant 0 : index
    %get3A_1 = vector.load %arg1[%get3A, %get3A_0] : memref<1024x128xf32, #tpu.memory_space<vmem>>, vector<1024x128xf32>
    %get3A_2 = arith.constant 0 : index
    %get3A_3 = arith.constant 0 : index
    %get3A_4 = vector.load %arg2[%get3A_2, %get3A_3] : memref<1024x128xf32, #tpu.memory_space<vmem>>, vector<1024x128xf32>
    %get3A_5 = arith.constant 0 : index
    %get3A_6 = arith.constant 0 : index
    %get3A_7 = vector.load %arg3[%get3A_5, %get3A_6] : memref<1x256xf32, #tpu.memory_space<vmem>>, vector<1x256xf32>
    %slice3A = vector.extract_strided_slice %get3A_7 {offsets = [0, 0], sizes = [1, 128], strides = [1, 1]} : vector<1x256xf32> to vector<1x128xf32>
    %slice3A_8 = vector.extract_strided_slice %get3A_7 {offsets = [0, 128], sizes = [1, 128], strides = [1, 1]} : vector<1x256xf32> to vector<1x128xf32>
    %mul3A = vector.broadcast %slice3A : vector<1x128xf32> to vector<1024x128xf32>
    %mul3A_9 = arith.mulf %get3A_1, %mul3A : vector<1024x128xf32>
    %reduce_sum3A = arith.constant dense<0.000000e+00> : vector<1024xf32>
    %reduce_sum3A_10 = vector.multi_reduction <add>, %mul3A_9, %reduce_sum3A [1] : vector<1024x128xf32> to vector<1024xf32>
    %broadcast_in_dim3A = vector.shape_cast %reduce_sum3A_10 : vector<1024xf32> to vector<1024x1xf32>
    %mul3A_11 = vector.broadcast %slice3A_8 : vector<1x128xf32> to vector<1024x128xf32>
    %mul3A_12 = arith.mulf %get3A_4, %mul3A_11 : vector<1024x128xf32>
    %reduce_sum3A_13 = arith.constant dense<0.000000e+00> : vector<1024xf32>
    %reduce_sum3A_14 = vector.multi_reduction <add>, %mul3A_12, %reduce_sum3A_13 [1] : vector<1024x128xf32> to vector<1024xf32>
    %broadcast_in_dim3A_15 = vector.shape_cast %reduce_sum3A_14 : vector<1024xf32> to vector<1024x1xf32>
    %add3A = arith.addf %broadcast_in_dim3A, %broadcast_in_dim3A_15 : vector<1024x1xf32>
    %gt3A = arith.constant 0.000000e+00 : f32
    %gt3A_16 = vector.broadcast %gt3A : f32 to vector<1024x1xf32>
    %gt3A_17 = arith.cmpf ogt, %add3A, %gt3A_16 : vector<1024x1xf32>
    %mul3A_18 = arith.constant 2.000000e-01 : f32
    %mul3A_19 = vector.broadcast %mul3A_18 : f32 to vector<1024x1xf32>
    %mul3A_20 = arith.mulf %mul3A_19, %add3A : vector<1024x1xf32>
    %select_n3A = arith.select %gt3A_17, %add3A, %mul3A_20 : vector<1024x1xi1>, vector<1024x1xf32>
    %exp3A = math.exp %select_n3A : vector<1024x1xf32>
    %mul3A_21 = vector.broadcast %exp3A : vector<1024x1xf32> to vector<1024x128xf32>
    %mul3A_22 = arith.mulf %get3A_1, %mul3A_21 : vector<1024x128xf32>
    %slice3A_23 = vector.extract_strided_slice %mul3A_22 {offsets = [0, 0], sizes = [1024, 64], strides = [1, 1]} : vector<1024x128xf32> to vector<1024x64xf32>
    %slice3A_24 = vector.extract_strided_slice %mul3A_22 {offsets = [0, 64], sizes = [1024, 64], strides = [1, 1]} : vector<1024x128xf32> to vector<1024x64xf32>
    %stack3A = vector.shape_cast %slice3A_23 : vector<1024x64xf32> to vector<1x1024x64xf32>
    %stack3A_25 = vector.shape_cast %slice3A_24 : vector<1024x64xf32> to vector<1x1024x64xf32>
    %stack3A_26 = tpu.concatenate %stack3A, %stack3A_25 in 0 : vector<1x1024x64xf32>, vector<1x1024x64xf32> -> vector<2x1024x64xf32>
    %squeeze3A = vector.shape_cast %exp3A : vector<1024x1xf32> to vector<1024xf32>
    %swap3A = arith.constant 0 : index
    %swap3A_27 = arith.constant 0 : index
    %swap3A_28 = arith.constant 0 : index
    %swap3A_29 = vector.load %arg4[%swap3A, %swap3A_27, %swap3A_28] : memref<2x1024x64xf32, #tpu.memory_space<vmem>>, vector<2x1024x64xf32>
    tpu.vector_store %arg4[%swap3A, %swap3A_27, %swap3A_28], %stack3A_26 {strides = array<i32>} : memref<2x1024x64xf32, #tpu.memory_space<vmem>>, vector<2x1024x64xf32>,
    %swap3A_30 = arith.constant 0 : index
    %swap3A_31 = vector.load %arg5[%swap3A_30] : memref<1024xf32, #tpu.memory_space<vmem>>, vector<1024xf32>
    tpu.vector_store %arg5[%swap3A_30], %squeeze3A {strides = array<i32>} : memref<1024xf32, #tpu.memory_space<vmem>>, vector<1024xf32>,
    return
  }
  func.func @transform_0(%arg0: i32) -> (i32, i32) {
    %c0_i32 = arith.constant 0 : i32
    %c0_i32_0 = arith.constant 0 : i32
    return %arg0, %c0_i32 : i32, i32
  }
  func.func @transform_1(%arg0: i32) -> (i32, i32) {
    %c0_i32 = arith.constant 0 : i32
    %c0_i32_0 = arith.constant 0 : i32
    return %arg0, %c0_i32 : i32, i32
  }
  func.func @transform_2(%arg0: i32) -> (i32, i32) {
    %c0_i32 = arith.constant 0 : i32
    %c0_i32_0 = arith.constant 0 : i32
    %c0_i32_1 = arith.constant 0 : i32
    return %c0_i32, %c0_i32_0 : i32, i32
  }
  func.func @transform_3(%arg0: i32) -> (i32, i32, i32) {
    %c0_i32 = arith.constant 0 : i32
    %c0_i32_0 = arith.constant 0 : i32
    %c0_i32_1 = arith.constant 0 : i32
    return %c0_i32, %arg0, %c0_i32_0 : i32, i32, i32
  }
  func.func @transform_4(%arg0: i32) -> i32 {
    %c0_i32 = arith.constant 0 : i32
    return %arg0 : i32
  }
}

module attributes {stable_mosaic.version = 14 : i64} {
  func.func @_mid_body(%arg0: i32, %arg1: memref<2x1024x64xf32, #tpu.memory_space<vmem>>, %arg2: memref<2x16x1024xf32, #tpu.memory_space<vmem>>, %arg3: memref<1024x128xf32, #tpu.memory_space<vmem>>, %arg4: memref<1024x128xf32, #tpu.memory_space<vmem>>, %arg5: memref<1x256xf32, #tpu.memory_space<vmem>>, %arg6: memref<1024x128xf32, #tpu.memory_space<vmem>>, %arg7: memref<2x1024x64xf32, #tpu.memory_space<vmem>>, %arg8: memref<1024xf32, #tpu.memory_space<vmem>>) attributes {dimension_semantics = [#tpu.dimension_semantics<arbitrary>], iteration_bounds = array<i64: 10>, scalar_prefetch = 0 : i64, scratch_operands = 0 : i64, tpu.core_type = #tpu.core_type<tc>, window_params = [{transform_indices = @transform_0, window_bounds = array<i64: 2, 1024, 64>}, {transform_indices = @transform_1, window_bounds = array<i64: 2, 16, 1024>}, {transform_indices = @transform_2, window_bounds = array<i64: 1024, 128>}, {transform_indices = @transform_3, window_bounds = array<i64: 1024, 128>}, {pipeline_mode = #tpu.pipeline_mode<synchronous>, transform_indices = @transform_4, window_bounds = array<i64: 1, 256>}, {transform_indices = @transform_5, window_bounds = array<i64: 1024, 128>}, {transform_indices = @transform_6, window_bounds = array<i64: 2, 1024, 64>}, {transform_indices = @transform_7, window_bounds = array<i64: 1024>}]} {
    %get3A = arith.constant 0 : index
    %get3A_0 = arith.constant 0 : index
    %get3A_1 = vector.load %arg3[%get3A, %get3A_0] : memref<1024x128xf32, #tpu.memory_space<vmem>>, vector<1024x128xf32>
    %get3A_2 = arith.constant 0 : index
    %get3A_3 = arith.constant 0 : index
    %get3A_4 = arith.constant 0 : index
    %get3A_5 = vector.load %arg1[%get3A_2, %get3A_3, %get3A_4] : memref<2x1024x64xf32, #tpu.memory_space<vmem>>, vector<1x1024x64xf32>
    %get3A_6 = vector.shape_cast %get3A_5 : vector<1x1024x64xf32> to vector<1024x64xf32>
    %get3A_7 = arith.constant 1 : index
    %get3A_8 = arith.constant 0 : index
    %get3A_9 = arith.constant 0 : index
    %get3A_10 = vector.load %arg1[%get3A_7, %get3A_8, %get3A_9] : memref<2x1024x64xf32, #tpu.memory_space<vmem>>, vector<1x1024x64xf32>
    %get3A_11 = vector.shape_cast %get3A_10 : vector<1x1024x64xf32> to vector<1024x64xf32>
    %concatenate3A = tpu.concatenate %get3A_6, %get3A_11 in 1 : vector<1024x64xf32>, vector<1024x64xf32> -> vector<1024x128xf32>
    %get3A_12 = arith.constant 0 : index
    %get3A_13 = arith.constant 0 : index
    %get3A_14 = arith.constant 0 : index
    %get3A_15 = vector.load %arg2[%get3A_12, %get3A_13, %get3A_14] : memref<2x16x1024xf32, #tpu.memory_space<vmem>>, vector<2x16x1024xf32>
    %reduce_sum3A = arith.constant dense<0.000000e+00> : vector<1024xf32>
    %reduce_sum3A_16 = vector.multi_reduction <add>, %get3A_15, %reduce_sum3A [0, 1] : vector<2x16x1024xf32> to vector<1024xf32>
    %broadcast_in_dim3A = vector.shape_cast %reduce_sum3A_16 : vector<1024xf32> to vector<1024x1xf32>
    %gt3A = arith.constant 0.000000e+00 : f32
    %gt3A_17 = vector.broadcast %gt3A : f32 to vector<1024x1xf32>
    %gt3A_18 = arith.cmpf ogt, %broadcast_in_dim3A, %gt3A_17 : vector<1024x1xf32>
    %jit3A = arith.constant 1.000000e+00 : f32
    %broadcast_in_dim3A_19 = vector.broadcast %jit3A : f32 to vector<1024x1xf32>
    %select_n3A = arith.select %gt3A_18, %broadcast_in_dim3A, %broadcast_in_dim3A_19 : vector<1024x1xi1>, vector<1024x1xf32>
    %div3A = vector.broadcast %select_n3A : vector<1024x1xf32> to vector<1024x128xf32>
    %div3A_20 = arith.divf %concatenate3A, %div3A : vector<1024x128xf32>
    %broadcast_in_dim3A_21 = vector.shape_cast %gt3A_18 : vector<1024x1xi1> to vector<1024x1xi1>
    %broadcast_in_dim3A_22 = vector.broadcast %broadcast_in_dim3A_21 : vector<1024x1xi1> to vector<1024x128xi1>
    %select_n3A_23 = arith.select %broadcast_in_dim3A_22, %div3A_20, %get3A_1 : vector<1024x128xi1>, vector<1024x128xf32>
    %swap3A = arith.constant 0 : index
    %swap3A_24 = arith.constant 0 : index
    %swap3A_25 = vector.load %arg6[%swap3A, %swap3A_24] : memref<1024x128xf32, #tpu.memory_space<vmem>>, vector<1024x128xf32>
    tpu.vector_store %arg6[%swap3A, %swap3A_24], %select_n3A_23 {strides = array<i32>} : memref<1024x128xf32, #tpu.memory_space<vmem>>, vector<1024x128xf32>,
    %get3A_26 = arith.constant 0 : index
    %get3A_27 = arith.constant 0 : index
    %get3A_28 = vector.load %arg4[%get3A_26, %get3A_27] : memref<1024x128xf32, #tpu.memory_space<vmem>>, vector<1024x128xf32>
    %get3A_29 = arith.constant 0 : index
    %get3A_30 = arith.constant 0 : index
    %get3A_31 = vector.load %arg5[%get3A_29, %get3A_30] : memref<1x256xf32, #tpu.memory_space<vmem>>, vector<1x256xf32>
    %slice3A = vector.extract_strided_slice %get3A_31 {offsets = [0, 0], sizes = [1, 128], strides = [1, 1]} : vector<1x256xf32> to vector<1x128xf32>
    %slice3A_32 = vector.extract_strided_slice %get3A_31 {offsets = [0, 128], sizes = [1, 128], strides = [1, 1]} : vector<1x256xf32> to vector<1x128xf32>
    %mul3A = vector.broadcast %slice3A : vector<1x128xf32> to vector<1024x128xf32>
    %mul3A_33 = arith.mulf %select_n3A_23, %mul3A : vector<1024x128xf32>
    %reduce_sum3A_34 = arith.constant dense<0.000000e+00> : vector<1024xf32>
    %reduce_sum3A_35 = vector.multi_reduction <add>, %mul3A_33, %reduce_sum3A_34 [1] : vector<1024x128xf32> to vector<1024xf32>
    %broadcast_in_dim3A_36 = vector.shape_cast %reduce_sum3A_35 : vector<1024xf32> to vector<1024x1xf32>
    %mul3A_37 = vector.broadcast %slice3A_32 : vector<1x128xf32> to vector<1024x128xf32>
    %mul3A_38 = arith.mulf %get3A_28, %mul3A_37 : vector<1024x128xf32>
    %reduce_sum3A_39 = arith.constant dense<0.000000e+00> : vector<1024xf32>
    %reduce_sum3A_40 = vector.multi_reduction <add>, %mul3A_38, %reduce_sum3A_39 [1] : vector<1024x128xf32> to vector<1024xf32>
    %broadcast_in_dim3A_41 = vector.shape_cast %reduce_sum3A_40 : vector<1024xf32> to vector<1024x1xf32>
    %add3A = arith.addf %broadcast_in_dim3A_36, %broadcast_in_dim3A_41 : vector<1024x1xf32>
    %gt3A_42 = arith.constant 0.000000e+00 : f32
    %gt3A_43 = vector.broadcast %gt3A_42 : f32 to vector<1024x1xf32>
    %gt3A_44 = arith.cmpf ogt, %add3A, %gt3A_43 : vector<1024x1xf32>
    %mul3A_45 = arith.constant 2.000000e-01 : f32
    %mul3A_46 = vector.broadcast %mul3A_45 : f32 to vector<1024x1xf32>
    %mul3A_47 = arith.mulf %mul3A_46, %add3A : vector<1024x1xf32>
    %select_n3A_48 = arith.select %gt3A_44, %add3A, %mul3A_47 : vector<1024x1xi1>, vector<1024x1xf32>
    %exp3A = math.exp %select_n3A_48 : vector<1024x1xf32>
    %mul3A_49 = vector.broadcast %exp3A : vector<1024x1xf32> to vector<1024x128xf32>
    %mul3A_50 = arith.mulf %select_n3A_23, %mul3A_49 : vector<1024x128xf32>
    %slice3A_51 = vector.extract_strided_slice %mul3A_50 {offsets = [0, 0], sizes = [1024, 64], strides = [1, 1]} : vector<1024x128xf32> to vector<1024x64xf32>
    %slice3A_52 = vector.extract_strided_slice %mul3A_50 {offsets = [0, 64], sizes = [1024, 64], strides = [1, 1]} : vector<1024x128xf32> to vector<1024x64xf32>
    %stack3A = vector.shape_cast %slice3A_51 : vector<1024x64xf32> to vector<1x1024x64xf32>
    %stack3A_53 = vector.shape_cast %slice3A_52 : vector<1024x64xf32> to vector<1x1024x64xf32>
    %stack3A_54 = tpu.concatenate %stack3A, %stack3A_53 in 0 : vector<1x1024x64xf32>, vector<1x1024x64xf32> -> vector<2x1024x64xf32>
    %squeeze3A = vector.shape_cast %exp3A : vector<1024x1xf32> to vector<1024xf32>
    %swap3A_55 = arith.constant 0 : index
    %swap3A_56 = arith.constant 0 : index
    %swap3A_57 = arith.constant 0 : index
    %swap3A_58 = vector.load %arg7[%swap3A_55, %swap3A_56, %swap3A_57] : memref<2x1024x64xf32, #tpu.memory_space<vmem>>, vector<2x1024x64xf32>
    tpu.vector_store %arg7[%swap3A_55, %swap3A_56, %swap3A_57], %stack3A_54 {strides = array<i32>} : memref<2x1024x64xf32, #tpu.memory_space<vmem>>, vector<2x1024x64xf32>,
    %swap3A_59 = arith.constant 0 : index
    %swap3A_60 = vector.load %arg8[%swap3A_59] : memref<1024xf32, #tpu.memory_space<vmem>>, vector<1024xf32>
    tpu.vector_store %arg8[%swap3A_59], %squeeze3A {strides = array<i32>} : memref<1024xf32, #tpu.memory_space<vmem>>, vector<1024xf32>,
    return
  }
  func.func @transform_0(%arg0: i32) -> (i32, i32, i32) {
    %c0_i32 = arith.constant 0 : i32
    %c0_i32_0 = arith.constant 0 : i32
    %c0_i32_1 = arith.constant 0 : i32
    return %c0_i32, %arg0, %c0_i32_0 : i32, i32, i32
  }
  func.func @transform_1(%arg0: i32) -> (i32, i32, i32) {
    %c0_i32 = arith.constant 0 : i32
    %c0_i32_0 = arith.constant 0 : i32
    %c0_i32_1 = arith.constant 0 : i32
    return %c0_i32, %c0_i32_0, %arg0 : i32, i32, i32
  }
  func.func @transform_2(%arg0: i32) -> (i32, i32) {
    %c0_i32 = arith.constant 0 : i32
    %c0_i32_0 = arith.constant 0 : i32
    return %arg0, %c0_i32 : i32, i32
  }
  func.func @transform_3(%arg0: i32) -> (i32, i32) {
    %c0_i32 = arith.constant 0 : i32
    %c0_i32_0 = arith.constant 0 : i32
    return %arg0, %c0_i32 : i32, i32
  }
  func.func @transform_4(%arg0: i32) -> (i32, i32) {
    %c0_i32 = arith.constant 0 : i32
    %c0_i32_0 = arith.constant 0 : i32
    %c0_i32_1 = arith.constant 0 : i32
    return %c0_i32, %c0_i32_0 : i32, i32
  }
  func.func @transform_5(%arg0: i32) -> (i32, i32) {
    %c0_i32 = arith.constant 0 : i32
    %c0_i32_0 = arith.constant 0 : i32
    return %arg0, %c0_i32 : i32, i32
  }
  func.func @transform_6(%arg0: i32) -> (i32, i32, i32) {
    %c0_i32 = arith.constant 0 : i32
    %c0_i32_0 = arith.constant 0 : i32
    %c0_i32_1 = arith.constant 0 : i32
    return %c0_i32, %arg0, %c0_i32_0 : i32, i32, i32
  }
  func.func @transform_7(%arg0: i32) -> i32 {
    %c0_i32 = arith.constant 0 : i32
    return %arg0 : i32
  }
}

module attributes {stable_mosaic.version = 14 : i64} {
  func.func @_final_body(%arg0: i32, %arg1: memref<2x1024x64xf32, #tpu.memory_space<vmem>>, %arg2: memref<2x16x1024xf32, #tpu.memory_space<vmem>>, %arg3: memref<1024x128xf32, #tpu.memory_space<vmem>>, %arg4: memref<1024x128xf32, #tpu.memory_space<vmem>>) attributes {dimension_semantics = [#tpu.dimension_semantics<arbitrary>], iteration_bounds = array<i64: 10>, scalar_prefetch = 0 : i64, scratch_operands = 0 : i64, tpu.core_type = #tpu.core_type<tc>, window_params = [{transform_indices = @transform_0, window_bounds = array<i64: 2, 1024, 64>}, {transform_indices = @transform_1, window_bounds = array<i64: 2, 16, 1024>}, {transform_indices = @transform_2, window_bounds = array<i64: 1024, 128>}, {transform_indices = @transform_3, window_bounds = array<i64: 1024, 128>}]} {
    %get3A = arith.constant 0 : index
    %get3A_0 = arith.constant 0 : index
    %get3A_1 = vector.load %arg3[%get3A, %get3A_0] : memref<1024x128xf32, #tpu.memory_space<vmem>>, vector<1024x128xf32>
    %get3A_2 = arith.constant 0 : index
    %get3A_3 = arith.constant 0 : index
    %get3A_4 = arith.constant 0 : index
    %get3A_5 = vector.load %arg1[%get3A_2, %get3A_3, %get3A_4] : memref<2x1024x64xf32, #tpu.memory_space<vmem>>, vector<1x1024x64xf32>
    %get3A_6 = vector.shape_cast %get3A_5 : vector<1x1024x64xf32> to vector<1024x64xf32>
    %get3A_7 = arith.constant 1 : index
    %get3A_8 = arith.constant 0 : index
    %get3A_9 = arith.constant 0 : index
    %get3A_10 = vector.load %arg1[%get3A_7, %get3A_8, %get3A_9] : memref<2x1024x64xf32, #tpu.memory_space<vmem>>, vector<1x1024x64xf32>
    %get3A_11 = vector.shape_cast %get3A_10 : vector<1x1024x64xf32> to vector<1024x64xf32>
    %concatenate3A = tpu.concatenate %get3A_6, %get3A_11 in 1 : vector<1024x64xf32>, vector<1024x64xf32> -> vector<1024x128xf32>
    %get3A_12 = arith.constant 0 : index
    %get3A_13 = arith.constant 0 : index
    %get3A_14 = arith.constant 0 : index
    %get3A_15 = vector.load %arg2[%get3A_12, %get3A_13, %get3A_14] : memref<2x16x1024xf32, #tpu.memory_space<vmem>>, vector<2x16x1024xf32>
    %reduce_sum3A = arith.constant dense<0.000000e+00> : vector<1024xf32>
    %reduce_sum3A_16 = vector.multi_reduction <add>, %get3A_15, %reduce_sum3A [0, 1] : vector<2x16x1024xf32> to vector<1024xf32>
    %broadcast_in_dim3A = vector.shape_cast %reduce_sum3A_16 : vector<1024xf32> to vector<1024x1xf32>
    %gt3A = arith.constant 0.000000e+00 : f32
    %gt3A_17 = vector.broadcast %gt3A : f32 to vector<1024x1xf32>
    %gt3A_18 = arith.cmpf ogt, %broadcast_in_dim3A, %gt3A_17 : vector<1024x1xf32>
    %jit3A = arith.constant 1.000000e+00 : f32
    %broadcast_in_dim3A_19 = vector.broadcast %jit3A : f32 to vector<1024x1xf32>
    %select_n3A = arith.select %gt3A_18, %broadcast_in_dim3A, %broadcast_in_dim3A_19 : vector<1024x1xi1>, vector<1024x1xf32>
    %div3A = vector.broadcast %select_n3A : vector<1024x1xf32> to vector<1024x128xf32>
    %div3A_20 = arith.divf %concatenate3A, %div3A : vector<1024x128xf32>
    %broadcast_in_dim3A_21 = vector.shape_cast %gt3A_18 : vector<1024x1xi1> to vector<1024x1xi1>
    %broadcast_in_dim3A_22 = vector.broadcast %broadcast_in_dim3A_21 : vector<1024x1xi1> to vector<1024x128xi1>
    %select_n3A_23 = arith.select %broadcast_in_dim3A_22, %div3A_20, %get3A_1 : vector<1024x128xi1>, vector<1024x128xf32>
    %swap3A = arith.constant 0 : index
    %swap3A_24 = arith.constant 0 : index
    %swap3A_25 = vector.load %arg4[%swap3A, %swap3A_24] : memref<1024x128xf32, #tpu.memory_space<vmem>>, vector<1024x128xf32>
    tpu.vector_store %arg4[%swap3A, %swap3A_24], %select_n3A_23 {strides = array<i32>} : memref<1024x128xf32, #tpu.memory_space<vmem>>, vector<1024x128xf32>,
    return
  }
  func.func @transform_0(%arg0: i32) -> (i32, i32, i32) {
    %c0_i32 = arith.constant 0 : i32
    %c0_i32_0 = arith.constant 0 : i32
    %c0_i32_1 = arith.constant 0 : i32
    return %c0_i32, %arg0, %c0_i32_0 : i32, i32, i32
  }
  func.func @transform_1(%arg0: i32) -> (i32, i32, i32) {
    %c0_i32 = arith.constant 0 : i32
    %c0_i32_0 = arith.constant 0 : i32
    %c0_i32_1 = arith.constant 0 : i32
    return %c0_i32, %c0_i32_0, %arg0 : i32, i32, i32
  }
  func.func @transform_2(%arg0: i32) -> (i32, i32) {
    %c0_i32 = arith.constant 0 : i32
    %c0_i32_0 = arith.constant 0 : i32
    return %arg0, %c0_i32 : i32, i32
  }
  func.func @transform_3(%arg0: i32) -> (i32, i32) {
    %c0_i32 = arith.constant 0 : i32
    %c0_i32_0 = arith.constant 0 : i32
    return %arg0, %c0_i32 : i32, i32
  }
}

</mosaic_0001>

<sc_bundles>
// kernel: kernel.10.cloned.1.call-start
scs
__scs_entry_jumppad:
0x0: {  	(pc) =	sbr.rel $0x88, $3  }
0x1: {  	(tag) =	ssettag $0x0;
	lr =	simm.s32 $0x1  }
0x2: {  	[smem:$0x3F9C] =	sst lr;
	_ =	strace $0xD0000000  }
0x3: {  	_ = 	snop  }
0x4: {  	_ = 	snop  }
0x5: {  	_ = 	snop  }
0x6: {  	_ = 	snop  }
0x7: {  	_ = 	snop  }
__scs_overlays_trampoline_lowered:
0x8: {  	[smem:$0x3FAB] =	sst s0  }
0x9: {  	[smem:$0x3FAC] =	sst s1  }
0xa: {  	[smem:$0x3FAD] =	sst s2  }
0xb: {  	[smem:$0x3FAE] =	sst s3  }
0xc: {  	[smem:$0x3FAF] =	sst s4  }
0xd: {  	[smem:$0x3FB0] =	sst s5  }
0xe: {  	[smem:$0x3FB1] =	sst s6  }
0xf: {  	[smem:$0x3FB2] =	sst s7  }
0x10: {  	[smem:$0x3FB3] =	sst s8  }
0x11: {  	[smem:$0x3FB4] =	sst s9;
	s0 =	simm.s32 @!p0 $0x0  }
0x12: {  	s1 =	sld [smem:$0x3F9A];
	s0 =	simm.s32 @p0 $0x1  }
0x13: {  	[smem:$0x3FB5] =	sst s0;
	s0 =	simm.s32 @!p1 $0x0  }
0x14: {  	s2 =	sld [smem:$0x3F99];
	s0 =	simm.s32 @p1 $0x1  }
0x15: {  	[smem:$0x3FB6] =	sst s0;
	s0 =	simm.s32 @!p2 $0x0  }
0x16: {  	s3 =	sld [smem:$0x3FDB];
	s0 =	simm.s32 @p2 $0x1  }
0x17: {  	s4 =	simm.s32 $0x1BF5;
	[smem:$0x3FB8] =	sst s0  }
0x18: {  	s0 =	sld [smem:$0x3F9B];
	_ =	swait.ge [sflag:s4], $0x0  }
0x19: {  	s7 =	sld [smem:$0x3F9C]  }
0x1a: {  	s8 =	sadd.s32 $0xFFFFE003, lr  }
0x1b: {  	s9 =	sadd.s32 $0xFFFFFEF7, lr;
	s5 =	simm.s32 $0xFFFFFFFF;
	p2 =	slt.u32 s8, $0xFFFFF086  }
0x1c: {  	p1 =	slt.u32 s9, $0xF7A;
	s5 =	simm.s32 @!p2 $0x0  }
0x1d: {  	s5 =	simm.s32 @p1 $0x1;
	p0 =	seq.s32 s7, s2  }
0x1e: {  	s7 =	smul.u32 @!p0 $0xF7A, s2;
	p2 =	seq.s32 @!p0 s5, $0x0  }
0x1f: {  	s9 =	smul.u32 $0xF7A, s1;
	s8 =	simm.s32 @!p0 $0x1BF5;
	p2 =	por !p2, p0  }
0x20: {  	[sflag:s8] =	ssyncset.s32 @!p0 $0xFFFFF086;
	s6 =	sadd.s32 @!p0 s3, s7;
	s7 =	simm.s32 @!p0 $0x108  }
0x21: {  	s3 =	sadd.s32 s3, s9;
	s6 =	sadd.s32 @!p0 $0x88, s6;
	s7 =	simm.s32 @p2 $0x1082  }
0x22: {  	[simem:s7], [sflag:s8] =	dma.local @!p0 [hbm:s6], $0xF7A  }
0x23: {  	s9 =	sor.u32 $0xD0000000, s2;
	s6 =	simm.s32 $0x108;
	_ =	swait.ge @!p0 [sflag:s8], $0x0  }
0x24: {  	s3 =	sadd.s32 $0x88, s3;
	s6 =	simm.s32 @!p1 $0x1082;
	[sflag:s4] =	ssyncset.s32 $0xFFFFF086  }
0x25: {  	[simem:s6], [sflag:s4] =	dma.local [hbm:s3], $0xF7A  }
0x26: {  	[smem:$0x3F9C] =	sst s1;
	(tag) =	ssettag s2;
	_ =	strace s9  }
0x27: {  	s1 =	sld [smem:$0x3FAC]  }
0x28: {  	s2 =	sld [smem:$0x3FAD]  }
0x29: {  	s4 =	sld [smem:$0x3FAF]  }
0x2a: {  	p0 =	seq.s32 s5, $0x0;
	s5 =	sld [smem:$0x3FB0]  }
0x2b: {  	s6 =	sld [smem:$0x3FB1]  }
0x2c: {  	s7 =	sld [smem:$0x3FB2]  }
0x2d: {  	s3 =	simm.s32 $0x108;
	s8 =	sld [smem:$0x3FB3]  }
0x2e: {  	s3 =	simm.s32 @!p0 $0x1082;
	s9 =	sld [smem:$0x3FB4]  }
0x2f: {  	lr =	sadd.s32 s0, s3;
	s0 =	sld [smem:$0x3FAB]  }
0x30: {  	s3 =	sld [smem:$0x3FAE]  }
0x31: {  	[smem:$0x3FB7] =	sst s10  }
0x32: {  	s10 =	sld [smem:$0x3FB5];
	_ =	sdelay $0x3  }
0x33: {  	p0 =	seq.s32 s10, $0x1;
	s10 =	sld [smem:$0x3FB7];
	_ =	sdelay $0x3  }
0x34: {  	[smem:$0x3FB7] =	sst s10  }
0x35: {  	s10 =	sld [smem:$0x3FB6];
	_ =	sdelay $0x3  }
0x36: {  	p1 =	seq.s32 s10, $0x1;
	s10 =	sld [smem:$0x3FB7];
	_ =	sdelay $0x3  }
0x37: {  	[smem:$0x3FB7] =	sst s10  }
0x38: {  	s10 =	sld [smem:$0x3FB8]  }
0x39: {  	_ = 	snop;
	(pc) =	sbr.ind lr, $3  }
0x3a: {  	_ = 	snop  }
0x3b: {  	_ = 	snop  }
0x3c: {  	p2 =	seq.s32 s10, $0x1;
	s10 =	sld [smem:$0x3FB7]  }
0x3d: {  	_ =	shalt  }
0x3e: {  	_ =	shalt  }
0x3f: {  	_ =	shalt  }
0x40: {  	_ =	shalt  }
0x41: {  	_ =	shalt  }
0x42: {  	_ =	shalt  }
0x43: {  	_ =	shalt  }
0x44: {  	_ =	shalt  }
0x45: {  	_ =	shalt  }
0x46: {  	_ =	shalt  }
0x47: {  	_ =	shalt  }
0x48: {  	_ =	shalt  }
0x49: {  	_ =	shalt  }
0x4a: {  	_ =	shalt  }
0x4b: {  	_ =	shalt  }
0x4c: {  	_ =	shalt  }
0x4d: {  	_ =	shalt  }
0x4e: {  	_ =	shalt  }
0x4f: {  	_ =	shalt  }
0x50: {  	_ =	shalt  }
0x51: {  	_ =	shalt  }
0x52: {  	_ =	shalt  }
0x53: {  	_ =	shalt  }
0x54: {  	_ =	shalt  }
0x55: {  	_ =	shalt  }
0x56: {  	_ =	shalt  }
0x57: {  	_ =	shalt  }
0x58: {  	_ =	shalt  }
0x59: {  	_ =	shalt  }
0x5a: {  	_ =	shalt  }
0x5b: {  	_ =	shalt  }
0x5c: {  	_ =	shalt  }
0x5d: {  	_ =	shalt  }
0x5e: {  	_ =	shalt  }
0x5f: {  	_ =	shalt  }
0x60: {  	_ =	shalt  }
0x61: {  	_ =	shalt  }
0x62: {  	_ =	shalt  }
0x63: {  	_ =	shalt  }
0x64: {  	_ =	shalt  }
0x65: {  	_ =	shalt  }
0x66: {  	_ =	shalt  }
0x67: {  	_ =	shalt  }
0x68: {  	_ =	shalt  }
0x69: {  	_ =	shalt  }
0x6a: {  	_ =	shalt  }
0x6b: {  	_ =	shalt  }
0x6c: {  	_ =	shalt  }
0x6d: {  	_ =	shalt  }
0x6e: {  	_ =	shalt  }
0x6f: {  	_ =	shalt  }
0x70: {  	_ =	shalt  }
0x71: {  	_ =	shalt  }
0x72: {  	_ =	shalt  }
0x73: {  	_ =	shalt  }
0x74: {  	_ =	shalt  }
0x75: {  	_ =	shalt  }
0x76: {  	_ =	shalt  }
0x77: {  	_ =	shalt  }
0x78: {  	_ =	shalt  }
0x79: {  	_ =	shalt  }
0x7a: {  	_ =	shalt  }
0x7b: {  	_ =	shalt  }
0x7c: {  	_ =	shalt  }
0x7d: {  	_ =	shalt  }
0x7e: {  	_ =	shalt  }
0x7f: {  	_ =	shalt  }
0x80: {  	_ =	shalt  }
0x81: {  	_ =	shalt  }
0x82: {  	_ =	shalt  }
0x83: {  	_ =	shalt  }
0x84: {  	_ =	shalt  }
0x85: {  	_ =	shalt  }
0x86: {  	_ =	shalt  }
0x87: {  	_ =	shalt  }
.Lfunc_end0:
.L_simem_size_0:
called_computation.1_lowered:
.L_overlay_start_0:
0x88: {  	s2 =	sld [smem:$0x3FD9]  }
0x89: {  	s3 =	sld [smem:$0x3FFE];
	_ =	sdelay $0x1  }
0x8a: {  	s1 =	srdreg.scid  }
0x8b: {  	s0 =	sand.u32 $0x1, s1  }
0x8c: {  	s17 =	sshll.u32 s0, $0xA;
	s2 =	sadd.s32 s3, s2  }
0x8d: {  	s2 =	sadd.s32 s2, s17  }
0x8e: {  	[smem:$0x3FC3] =	sst s2  }
0x8f: {  	_ = 	snop  }
0x90: {  	s2 =	sld [smem:$0x3FD0];
	(tm) =	ssettm $0x1  }
0x91: {  	s18 =	sld [smem:$0x3FFB];
	_ =	sdelay $0x3  }
0x92: {  	_ =	strace s18  }
0x93: {  	s3 =	sld [smem:$0x3FFC];
	_ =	sdelay $0x3  }
0x94: {  	_ =	strace s3  }
0x95: {  	s3 =	sld [smem:$0x3FFD];
	_ =	sdelay $0x3  }
0x96: {  	_ =	strace s3  }
0x97: {  	_ =	strace $0x8FFFFFFF  }
0x98: {  	s19 =	sld [smem:$0x3FDB];
	_ =	sdelay $0x1  }
0x99: {  	s4 =	simm.s32 $_scs_section_size  }
0x9a: {  	s5 =	simm.s32 $_size__tile_overlayer_lowered;
	s6 =	simm.s32 $_tile_overlayer_lowered  }
0x9b: {  	s22 =	simm.s32 $0x1BFF;
	s21 =	sshll.u32 s6, $0x1;
	s3 =	sadd.s32 s4, s19  }
0x9c: {  	s7 =	simm.s32 $0x0;
	s20 =	sshll.u32 s5, $0x1;
	s5 =	sadd.s32 s21, s3  }
0x9d: {  	[timem:s7], [sflag:s22] =	dma.local [hbm:s5], s20  }
0x9e: {  	_ =	swait.ge [sflag:s22], s20  }
0x9f: {  	s4 =	ssub.s32 $0x0, s20;
	[sflag:s22] =	ssyncset.done $0x0  }
0xa0: {  	[sflag:s22] =	ssyncadd.s32 s4;
	_ =	sdelay $0x1  }
0xa1: {  	s23 =	simm.s32 $0x1B8B  }
0xa2: {  	_ =	swait.ge [sflag:s23], $0x1  }
0xa3: {  	[sflag:s23] =	ssyncset.done $0x0  }
0xa4: {  	s25 =	simm.s32 $0x1B8E;
	s24 =	sld [smem:$0x3FFE];
	[sflag:s23] =	ssyncadd.s32 $0xFFFFFFFF  }
0xa5: {  	s26 =	simm.s32 $execute0_lowered;
	[smem:$0x3FD2] =	sst s25  }
0xa6: {  	s5 =	sshll.u32 s26, $0x1;
	_ =	strace $0x80000049;
	[dreg:$0x1] =	wrdreg $0xFFFFFFFF  }
0xa7: {  	s28 =	simm.s32 $_size_execute0_lowered;
	s3 =	sadd.s32 s3, s5;
	[dreg:$0x0] =	wrdreg $0x0  }
0xa8: {  	s5 =	sshll.u32 s28, $0x1;
	[dreg:$0x2] =	wrdreg s3  }
0xa9: {  	[dreg:$0x3] =	wrdreg s5  }
0xaa: {  	[dreg:$0x4] =	wrdreg $0xC0  }
0xab: {  	_ =	task [dreg:s7], $0x5FFFF  }
0xac: {  	[dreg:$0x1] =	wrdreg $0xFFFFFFFF  }
0xad: {  	[dreg:$0x0] =	wrdreg $0x60  }
0xae: {  	[dreg:$0x2] =	wrdreg s24  }
0xaf: {  	[dreg:$0x3] =	wrdreg s2  }
0xb0: {  	[dreg:$0x4] =	wrdreg $0x120400  }
0xb1: {  	[dreg:$0x5] =	wrdreg $0x9  }
0xb2: {  	_ =	task.clear_ibuf [dreg:s7], $0x6FFFF;
	_ =	strace $0x90000049  }
0xb3: {  	s29 =	simm.s32 $0x9;
	_ =	strace $0x8000004B  }
0xb4: {  	_ =	swait.ge [sflag:s29], $0x1  }
0xb5: {  	[sflag:s29] =	ssyncadd.s32 $0xFFFFFFFF  }
0xb6: {  	_ =	strace $0x9000004B  }
0xb7: {  	_ =	sfence  }
0xb8: {  	s30 =	sld [smem:$0x0];
	_ =	sdelay $0x2  }
0xb9: {  	s31 =	sshll.u32 s1, $0xD;
	s1 =	sshrl.u32 s1, $0x2  }
0xba: {  	s3 =	sand.u32 $0x4000, s31;
	s1 =	sadd.s32 s1, s30  }
0xbb: {  	s0 =	sor.u32 s3, s0;
	s1 =	sshll.u32 s1, $0x11  }
0xbc: {  	s0 =	sor.u32 s1, s0  }
0xbd: {  	s0 =	sadd.s32 $0x8F2B, s0  }
0xbe: {  	[sflag:s0] =	ssyncadd.remote.s32 $0x1  }
0xbf: {  	_ =	sfence.sel $0xFFFF  }
0xc0: {  	[dreg:$0x0] =	wrdreg $0xFFFFFFFF;
	(pc) =	sbr.abs _section_cstart, $3  }
0xc1: {  	[dreg:$0x1] =	wrdreg $0xFFFFFFFF  }
0xc2: {  	_ =	task.clear_ibuf [dreg:s7], $0x2FFFF;
	_ =	strace $0x9FFFFFFF  }
0xc3: {  	(tm) =	ssettm $0x7FFFFFFF  }
tec
execute0_lowered:
.L_overlay_start_1:
0x0: {  	(tag) =	ssettag $0x1  }
0x1: {  	s5 =	rddreg [dreg:$0x0]  }
0x2: {  	s11 =	rddreg [dreg:$0x1]  }
0x3: {  	s2 =	rddreg [dreg:$0x2]  }
0x4: {  	s1 =	stileid.u32;
	s4 =	srdreg.scid;
	s3 =	simm.s32 $0x0  }
0x5: {  	s16 =	simm.s32 $0xB040;
	s17 =	simm.s32 $0x2;
	s6 =	smul.u32 $0x9C4, s1  }
0x6: {  	s18 =	simm.s32 $0xD040;
	s19 =	simm.s32 $0x50;
	s8 =	smul.u32 $0x28000, s1  }
0x7: {  	s20 =	simm.s32 $0x9C40;
	s26 =	simm.s32 $0x0;
	s15 =	smul.u32 $0xA000, s1  }
0x8: {  	s12 =	sand.u32 $0x1, s4;
	[smem:$0x7FF] =	sst s3;
	s25 =	smul.u32 $0x500, s1  }
0x9: {  	s4 =	sadd.s32 $0x65A00, s5;
	s7 =	smul.u32 $0x14000, s12;
	_ =	strace $0x8000004A  }
0xa: {  	s29 =	ssub.s32 $0x2, s12;
	s9 =	sadd.s32 s6, s5;
	s6 =	smul.u32 $0x7D, s12  }
0xb: {  	s30 =	sshrl.u32 s29, $0x1;
	s31 =	sshrl.u32 s8, $0x2;
	s12 =	smul.u32 $0x5000, s12  }
0xc: {  	s22 =	sshrl.u32 s15, $0x3;
	s23 =	sadd.s32 s15, s2;
	s13 =	sadd.s32 s7, s5  }
0xd: {  	s14 =	ssub.s32 s29, s30;
	s5 =	sadd.s32 s31, s2;
	s7 =	sadd.s32 $0xBC00, s9  }
0xe: {  	s8 =	sadd.s32 $0x1E00, s9;
	s23 =	sshrl.u32 s23, $0x3;
	s9 =	sadd.s32 $0x66000, s13  }
0xf: {  	s10 =	sadd.s32 $0x7D, s6;
	s21 =	sadd.s32 $0x15A00, s13;
	s24 =	sadd.s32 s11, s12  }
0x10: {  	s11 =	smax.u32 s14, $0x1;
	s12 =	sadd.s32 $0x2000, s5;
	s13 =	sadd.s32 $0x4000, s5  }
0x11: {  	s14 =	sadd.s32 $0x6000, s5;
	s15 =	sadd.s32 $0x8000, s5;
	s21 =	sadd.s32 s22, s21  }
0x12: {  	v0 =	vimm.f32 $0.0e+00;
	s22 =	simm.s32 $0x1;
	s24 =	sadd.s32 s25, s24;
	s25 =	simm.s32 $0xF840  }
.LBB2_1:
0x13: {  	s28 =	simm.s32 $0x0  }
.LBB2_2:
0x14: {  	p0 =	sne.s32 s28, $0x7F00  }
.Ltmp0:
0x15: {  	s29 =	sshra.s32 s28, $0x2;
	(pc) =	sbr.rel @p0 .LBB2_2-.Ltmp0, $4  }
0x16: {  	[tilespmem:s29+$0xB040] =	vst v0  }
0x17: {  	[tilespmem:s29+$0xB050] =	vst v0  }
0x18: {  	[tilespmem:s29+$0xB060] =	vst v0  }
0x19: {  	s28 =	sadd.s32 $0x100, s28;
	[tilespmem:s29+$0xB070] =	vst v0  }
0x1a: {  	s28 =	simm.s32 $0x40;
	s29 =	simm.s32 $0x0  }
.LBB2_4:
0x1b: {  	p0 =	sne.s32 s28, $0x9FC0;
	[tilespmem:s29+$0xF840] =	vst v0;
	s29 =	smov.u32 s28;
	s28 =	sadd.s32 $0x40, s28  }
.Ltmp1:
0x1c: {  	(pc) =	sbr.rel @p0 .LBB2_4-.Ltmp1, $2  }
0x1d: {  	_ =	sdelay $0x2  }
0x1e: {  	s29 =	sshra.s32 s29, $0x2  }
0x1f: {  	[tilespmem:s29+$0xF840] =	vst v0  }
0x20: {  	[spmem:s5] =	stream.linear.scatter [tilespmem:s16], [sflag:$0x2], $0x2000, $0x38;
	[tilespmem:$0x1C040] =	vst v63  }
0x21: {  	_ =	swait.ge [sflag:s17], $0x2000  }
0x22: {  	[sflag:s17] =	ssyncset.done $0x0  }
0x23: {  	[sflag:s17] =	ssyncadd.s32 $0xFFFFE000  }
0x24: {  	[spmem:s12] =	stream.linear.scatter [tilespmem:s16], [sflag:$0x2], $0x2000, $0x38;
	[tilespmem:$0x1C040] =	vst v63  }
0x25: {  	_ =	swait.ge [sflag:s17], $0x2000  }
0x26: {  	[sflag:s17] =	ssyncset.done $0x0  }
0x27: {  	[sflag:s17] =	ssyncadd.s32 $0xFFFFE000  }
0x28: {  	[spmem:s13] =	stream.linear.scatter [tilespmem:s16], [sflag:$0x2], $0x2000, $0x38;
	[tilespmem:$0x1C040] =	vst v63  }
0x29: {  	_ =	swait.ge [sflag:s17], $0x2000  }
0x2a: {  	[sflag:s17] =	ssyncset.done $0x0  }
0x2b: {  	[sflag:s17] =	ssyncadd.s32 $0xFFFFE000  }
0x2c: {  	[spmem:s14] =	stream.linear.scatter [tilespmem:s16], [sflag:$0x2], $0x2000, $0x38;
	[tilespmem:$0x1C040] =	vst v63  }
0x2d: {  	_ =	swait.ge [sflag:s17], $0x2000  }
0x2e: {  	[sflag:s17] =	ssyncset.done $0x0  }
0x2f: {  	[sflag:s17] =	ssyncadd.s32 $0xFFFFE000  }
0x30: {  	[spmem:s15] =	stream.linear.scatter [tilespmem:s16], [sflag:$0x2], $0x2000, $0x38;
	[tilespmem:$0x1C040] =	vst v63  }
0x31: {  	_ =	swait.ge [sflag:s17], $0x2000  }
0x32: {  	[sflag:s17] =	ssyncset.done $0x0  }
0x33: {  	[sflag:s17] =	ssyncadd.s32 $0xFFFFE000  }
0x34: {  	s28 =	simm.s32 $0x0;
	[bflag:$0x0] =	sbarrier.arrive $0xFFFF  }
0x35: {  	[tilespmem:s28], [sflag:$0x2] =	stream.linear.gather [hbm4b:s7+s28], $0x4E20, $0x38;
	[tilespmem:$0x1C040] =	vst v63  }
0x36: {  	_ =	swait.ge [sflag:s17], $0x4E20  }
0x37: {  	[sflag:s17] =	ssyncset.done $0x0  }
0x38: {  	s29 =	simm.s32 $0x4E20;
	[sflag:s17] =	ssyncadd.s32 $0xFFFFB1E0  }
0x39: {  	[tilespmem:s29], [sflag:$0x2] =	stream.linear.gather [hbm4b:s8+s28], $0x4E20, $0x38;
	[tilespmem:$0x1C040] =	vst v63  }
0x3a: {  	_ =	swait.ge [sflag:s17], $0x4E20  }
0x3b: {  	[sflag:s17] =	ssyncset.done $0x0  }
0x3c: {  	[sflag:s17] =	ssyncadd.s32 $0xFFFFB1E0  }
0x3d: {  	[tilespmem:s18], [sflag:$0x2] =	stream.linear.gather [hbm4b:s4+s28], $0x2800, $0x38;
	[tilespmem:$0x1C040] =	vst v63  }
0x3e: {  	_ =	swait.ge [sflag:s17], $0x2800  }
0x3f: {  	[sflag:s17] =	ssyncset.done $0x0  }
0x40: {  	s30 =	simm.s32 $0x0;
	[sflag:s17] =	ssyncadd.s32 $0xFFFFD800  }
.LBB2_6:
0x41: {  	[tilespmem:s20], [sflag:$0x1] =	stream.indirect.gather [hbm4b:s9+s19], $0x40, s28, s19, $0xb8;
	[tilespmem:$0x1C040] =	vst v63  }
0x42: {  	p0 =	slt.u32 s30, s6  }
0x43: {  	p1 =	sge.u32 @!p0 s30, s10  }
0x44: {  	p0 =	por p1, p0  }
0x45: {  	v1 =	vld @!p0 [tilespmem:s28+$0x0];
	_ =	sdelay $0x4  }
0x46: {  	v2 =	vld @!p0 [tilespmem:s29+$0x0];
	_ =	sdelay $0x1  }
0x47: {  	s31 =	simm.s32 @!p0 $0xD040  }
0x48: {  	v1 =	vld.idx.msk @!p0 [tilespmem:v1+s31+$0x0], $0xffff;
	_ =	sdelay $0x3  }
0x49: {  	s0 =	simm.s32 @!p0 $0xF840  }
0x4a: {  	[tilespmem:v2+s0+$0x0] =	vst.idx.add.f32.msk @!p0 $0xffff, v1  }
0x4b: {  	v1 =	vld @!p0 [tilespmem:s28+$0x10];
	_ =	sdelay $0x4  }
0x4c: {  	v2 =	vld @!p0 [tilespmem:s29+$0x10];
	_ =	sdelay $0x2  }
0x4d: {  	v1 =	vld.idx.msk @!p0 [tilespmem:v1+s31+$0x0], $0xffff;
	_ =	sdelay $0x4  }
0x4e: {  	[tilespmem:v2+s0+$0x0] =	vst.idx.add.f32.msk @!p0 $0xffff, v1  }
0x4f: {  	v1 =	vld @!p0 [tilespmem:s28+$0x20];
	_ =	sdelay $0x4  }
0x50: {  	v2 =	vld @!p0 [tilespmem:s29+$0x20];
	_ =	sdelay $0x2  }
0x51: {  	v1 =	vld.idx.msk @!p0 [tilespmem:v1+s31+$0x0], $0xffff;
	_ =	sdelay $0x4  }
0x52: {  	[tilespmem:v2+s0+$0x0] =	vst.idx.add.f32.msk @!p0 $0xffff, v1  }
0x53: {  	v1 =	vld @!p0 [tilespmem:s28+$0x30];
	_ =	sdelay $0x4  }
0x54: {  	v2 =	vld @!p0 [tilespmem:s29+$0x30];
	_ =	sdelay $0x2  }
0x55: {  	v1 =	vld.idx.msk @!p0 [tilespmem:v1+s31+$0x0], $0xffff;
	_ =	sdelay $0x4  }
0x56: {  	[tilespmem:v2+s0+$0x0] =	vst.idx.add.f32.msk @!p0 $0xffff, v1  }
0x57: {  	v1 =	vld @!p0 [tilespmem:s28+$0x40];
	_ =	sdelay $0x4  }
0x58: {  	v2 =	vld @!p0 [tilespmem:s29+$0x40];
	_ =	sdelay $0x2  }
0x59: {  	v1 =	vld.idx.msk @!p0 [tilespmem:v1+s31+$0x0], $0xffff;
	_ =	sdelay $0x4  }
0x5a: {  	[tilespmem:v2+s0+$0x0] =	vst.idx.add.f32.msk @!p0 $0xffff, v1  }
0x5b: {  	s30 =	sadd.s32 $0x1, s30;
	_ =	swait.ge [sflag:s22], $0x1400  }
0x5c: {  	p0 =	sne.s32 s30, $0xFA;
	[sflag:s22] =	ssyncset.done $0x0  }
.Ltmp2:
0x5d: {  	[sflag:s22] =	ssyncadd.s32 $0xFFFFEC00;
	(pc) =	sbr.rel @p0 .LBB2_6-.Ltmp2, $4  }
0x5e: {  	[spmem:s2] =	stream.indirect.scatter.add.f32 [tilespmem:s20], [sflag:$0x2], $0x40, s29, s19, $0xb8;
	[tilespmem:$0x1C040] =	vst v63  }
0x5f: {  	_ =	swait.ge [sflag:s17], $0x1400  }
0x60: {  	[sflag:s17] =	ssyncset.done $0x0  }
0x61: {  	s28 =	sadd.s32 $0x50, s28;
	s29 =	sadd.s32 $0x50, s29;
	[sflag:s17] =	ssyncadd.s32 $0xFFFFEC00  }
0x62: {  	s0 =	sshll.u32 s1, $0x6  }
0x63: {  	[bflag:$0x0] =	sbarrier.arrive $0xFFFF;
	s0 =	sor.u32 $0x1C02, s0  }
0x64: {  	[hbm:s21], [sflag:s0] =	dma.local [spmem:s23], $0x1400  }
0x65: {  	s26 =	sadd.s32 $0x1, s26;
	_ =	swait.ge [sflag:s17], $0x1400  }
0x66: {  	p0 =	sne.s32 s26, s11;
	[sflag:s17] =	ssyncset.done $0x0  }
.Ltmp3:
0x67: {  	[sflag:s17] =	ssyncadd.s32 $0xFFFFEC00;
	(pc) =	sbr.rel @p0 .LBB2_1-.Ltmp3, $4  }
0x68: {  	[hbm4b:s24+s3] =	stream.linear.scatter [tilespmem:s25], [sflag:$0x2], $0x2800, $0x38;
	[tilespmem:$0x1C040] =	vst v63  }
0x69: {  	_ =	swait.ge [sflag:s17], $0x2800  }
0x6a: {  	[sflag:s17] =	ssyncset.done $0x0  }
0x6b: {  	[sflag:s17] =	ssyncadd.s32 $0xFFFFD800  }
0x6c: {  	_ =	sfence.sel $0x180000  }
0x6d: {  	[bflag:$0x0] =	sbarrier.arrive $0xFFFF  }
0x6e: {  	_ =	strace $0x9000004A  }
0x6f: {  	[bflag:$0x2] =	sbarrier.arrive $0xFFFF  }
0x70: {  	p0 =	sne.s32 s1, $0x0;
	s0 =	rddreg [dreg:$0x3]  }
0x71: {  	s0 =	sadd.s32 @!p0 $0x100000, s0  }
0x72: {  	[sflag:s0] =	ssyncadd.tile.s32 @!p0 $0x1;
	_ =	shalt  }
.Lfunc_end2:
_tile_overlayer_lowered:
.L_overlay_start_2:
0x73: {  	(tag) =	ssettag $0x2  }
0x74: {  	s0 =	rddreg [dreg:$0x0];
	s2 =	stileid.u32  }
0x75: {  	s1 =	rddreg [dreg:$0x1];
	p0 =	sne.s32 s2, $0x0  }
0x76: {  	s3 =	rddreg [dreg:$0x2];
	[bflag:$0x3] =	sbarrier.arrive $0xFFFF;
	s2 =	simm.s32 @!p0 $0x1C02  }
0x77: {  	[timem:s3], [sflag:s2] =	dma.local @!p0 [hbm:s0], s1  }
0x78: {  	s0 =	simm.s32 @!p0 $0x2  }
0x79: {  	_ =	swait.ge @!p0 [sflag:s0], s1  }
0x7a: {  	s1 =	ssub.s32 @!p0 $0x0, s1;
	[sflag:s0] =	ssyncset.done @!p0 $0x0  }
0x7b: {  	[sflag:s0] =	ssyncadd.s32 @!p0 s1  }
0x7c: {  	[bflag:$0x3] =	sbarrier.arrive $0xFFFF  }
0x7d: {  	_ =	shalt  }

// kernel: kernel.7.cloned.1.call-start
scs
__scs_entry_jumppad:
0x0: {  	(pc) =	sbr.rel $0x88, $3  }
0x1: {  	(tag) =	ssettag $0x0;
	lr =	simm.s32 $0x1  }
0x2: {  	[smem:$0x3F9C] =	sst lr;
	_ =	strace $0xD0000000  }
0x3: {  	_ = 	snop  }
0x4: {  	_ = 	snop  }
0x5: {  	_ = 	snop  }
0x6: {  	_ = 	snop  }
0x7: {  	_ = 	snop  }
__scs_overlays_trampoline_lowered:
0x8: {  	[smem:$0x3FAB] =	sst s0  }
0x9: {  	[smem:$0x3FAC] =	sst s1  }
0xa: {  	[smem:$0x3FAD] =	sst s2  }
0xb: {  	[smem:$0x3FAE] =	sst s3  }
0xc: {  	[smem:$0x3FAF] =	sst s4  }
0xd: {  	[smem:$0x3FB0] =	sst s5  }
0xe: {  	[smem:$0x3FB1] =	sst s6  }
0xf: {  	[smem:$0x3FB2] =	sst s7  }
0x10: {  	[smem:$0x3FB3] =	sst s8  }
0x11: {  	[smem:$0x3FB4] =	sst s9;
	s0 =	simm.s32 @!p0 $0x0  }
0x12: {  	s1 =	sld [smem:$0x3F9A];
	s0 =	simm.s32 @p0 $0x1  }
0x13: {  	[smem:$0x3FB5] =	sst s0;
	s0 =	simm.s32 @!p1 $0x0  }
0x14: {  	s2 =	sld [smem:$0x3F99];
	s0 =	simm.s32 @p1 $0x1  }
0x15: {  	[smem:$0x3FB6] =	sst s0;
	s0 =	simm.s32 @!p2 $0x0  }
0x16: {  	s3 =	sld [smem:$0x3FDB];
	s0 =	simm.s32 @p2 $0x1  }
0x17: {  	s4 =	simm.s32 $0x1BF5;
	[smem:$0x3FB8] =	sst s0  }
0x18: {  	s0 =	sld [smem:$0x3F9B];
	_ =	swait.ge [sflag:s4], $0x0  }
0x19: {  	s7 =	sld [smem:$0x3F9C]  }
0x1a: {  	s8 =	sadd.s32 $0xFFFFE003, lr  }
0x1b: {  	s9 =	sadd.s32 $0xFFFFFEF7, lr;
	s5 =	simm.s32 $0xFFFFFFFF;
	p2 =	slt.u32 s8, $0xFFFFF086  }
0x1c: {  	p1 =	slt.u32 s9, $0xF7A;
	s5 =	simm.s32 @!p2 $0x0  }
0x1d: {  	s5 =	simm.s32 @p1 $0x1;
	p0 =	seq.s32 s7, s2  }
0x1e: {  	s7 =	smul.u32 @!p0 $0xF7A, s2;
	p2 =	seq.s32 @!p0 s5, $0x0  }
0x1f: {  	s9 =	smul.u32 $0xF7A, s1;
	s8 =	simm.s32 @!p0 $0x1BF5;
	p2 =	por !p2, p0  }
0x20: {  	[sflag:s8] =	ssyncset.s32 @!p0 $0xFFFFF086;
	s6 =	sadd.s32 @!p0 s3, s7;
	s7 =	simm.s32 @!p0 $0x108  }
0x21: {  	s3 =	sadd.s32 s3, s9;
	s6 =	sadd.s32 @!p0 $0x88, s6;
	s7 =	simm.s32 @p2 $0x1082  }
0x22: {  	[simem:s7], [sflag:s8] =	dma.local @!p0 [hbm:s6], $0xF7A  }
0x23: {  	s9 =	sor.u32 $0xD0000000, s2;
	s6 =	simm.s32 $0x108;
	_ =	swait.ge @!p0 [sflag:s8], $0x0  }
0x24: {  	s3 =	sadd.s32 $0x88, s3;
	s6 =	simm.s32 @!p1 $0x1082;
	[sflag:s4] =	ssyncset.s32 $0xFFFFF086  }
0x25: {  	[simem:s6], [sflag:s4] =	dma.local [hbm:s3], $0xF7A  }
0x26: {  	[smem:$0x3F9C] =	sst s1;
	(tag) =	ssettag s2;
	_ =	strace s9  }
0x27: {  	s1 =	sld [smem:$0x3FAC]  }
0x28: {  	s2 =	sld [smem:$0x3FAD]  }
0x29: {  	s4 =	sld [smem:$0x3FAF]  }
0x2a: {  	p0 =	seq.s32 s5, $0x0;
	s5 =	sld [smem:$0x3FB0]  }
0x2b: {  	s6 =	sld [smem:$0x3FB1]  }
0x2c: {  	s7 =	sld [smem:$0x3FB2]  }
0x2d: {  	s3 =	simm.s32 $0x108;
	s8 =	sld [smem:$0x3FB3]  }
0x2e: {  	s3 =	simm.s32 @!p0 $0x1082;
	s9 =	sld [smem:$0x3FB4]  }
0x2f: {  	lr =	sadd.s32 s0, s3;
	s0 =	sld [smem:$0x3FAB]  }
0x30: {  	s3 =	sld [smem:$0x3FAE]  }
0x31: {  	[smem:$0x3FB7] =	sst s10  }
0x32: {  	s10 =	sld [smem:$0x3FB5];
	_ =	sdelay $0x3  }
0x33: {  	p0 =	seq.s32 s10, $0x1;
	s10 =	sld [smem:$0x3FB7];
	_ =	sdelay $0x3  }
0x34: {  	[smem:$0x3FB7] =	sst s10  }
0x35: {  	s10 =	sld [smem:$0x3FB6];
	_ =	sdelay $0x3  }
0x36: {  	p1 =	seq.s32 s10, $0x1;
	s10 =	sld [smem:$0x3FB7];
	_ =	sdelay $0x3  }
0x37: {  	[smem:$0x3FB7] =	sst s10  }
0x38: {  	s10 =	sld [smem:$0x3FB8]  }
0x39: {  	_ = 	snop;
	(pc) =	sbr.ind lr, $3  }
0x3a: {  	_ = 	snop  }
0x3b: {  	_ = 	snop  }
0x3c: {  	p2 =	seq.s32 s10, $0x1;
	s10 =	sld [smem:$0x3FB7]  }
0x3d: {  	_ =	shalt  }
0x3e: {  	_ =	shalt  }
0x3f: {  	_ =	shalt  }
0x40: {  	_ =	shalt  }
0x41: {  	_ =	shalt  }
0x42: {  	_ =	shalt  }
0x43: {  	_ =	shalt  }
0x44: {  	_ =	shalt  }
0x45: {  	_ =	shalt  }
0x46: {  	_ =	shalt  }
0x47: {  	_ =	shalt  }
0x48: {  	_ =	shalt  }
0x49: {  	_ =	shalt  }
0x4a: {  	_ =	shalt  }
0x4b: {  	_ =	shalt  }
0x4c: {  	_ =	shalt  }
0x4d: {  	_ =	shalt  }
0x4e: {  	_ =	shalt  }
0x4f: {  	_ =	shalt  }
0x50: {  	_ =	shalt  }
0x51: {  	_ =	shalt  }
0x52: {  	_ =	shalt  }
0x53: {  	_ =	shalt  }
0x54: {  	_ =	shalt  }
0x55: {  	_ =	shalt  }
0x56: {  	_ =	shalt  }
0x57: {  	_ =	shalt  }
0x58: {  	_ =	shalt  }
0x59: {  	_ =	shalt  }
0x5a: {  	_ =	shalt  }
0x5b: {  	_ =	shalt  }
0x5c: {  	_ =	shalt  }
0x5d: {  	_ =	shalt  }
0x5e: {  	_ =	shalt  }
0x5f: {  	_ =	shalt  }
0x60: {  	_ =	shalt  }
0x61: {  	_ =	shalt  }
0x62: {  	_ =	shalt  }
0x63: {  	_ =	shalt  }
0x64: {  	_ =	shalt  }
0x65: {  	_ =	shalt  }
0x66: {  	_ =	shalt  }
0x67: {  	_ =	shalt  }
0x68: {  	_ =	shalt  }
0x69: {  	_ =	shalt  }
0x6a: {  	_ =	shalt  }
0x6b: {  	_ =	shalt  }
0x6c: {  	_ =	shalt  }
0x6d: {  	_ =	shalt  }
0x6e: {  	_ =	shalt  }
0x6f: {  	_ =	shalt  }
0x70: {  	_ =	shalt  }
0x71: {  	_ =	shalt  }
0x72: {  	_ =	shalt  }
0x73: {  	_ =	shalt  }
0x74: {  	_ =	shalt  }
0x75: {  	_ =	shalt  }
0x76: {  	_ =	shalt  }
0x77: {  	_ =	shalt  }
0x78: {  	_ =	shalt  }
0x79: {  	_ =	shalt  }
0x7a: {  	_ =	shalt  }
0x7b: {  	_ =	shalt  }
0x7c: {  	_ =	shalt  }
0x7d: {  	_ =	shalt  }
0x7e: {  	_ =	shalt  }
0x7f: {  	_ =	shalt  }
0x80: {  	_ =	shalt  }
0x81: {  	_ =	shalt  }
0x82: {  	_ =	shalt  }
0x83: {  	_ =	shalt  }
0x84: {  	_ =	shalt  }
0x85: {  	_ =	shalt  }
0x86: {  	_ =	shalt  }
0x87: {  	_ =	shalt  }
.Lfunc_end0:
.L_simem_size_0:
called_computation_lowered:
.L_overlay_start_0:
0x88: {  	s2 =	sld [smem:$0x3FD9]  }
0x89: {  	s3 =	sld [smem:$0x3FFE];
	_ =	sdelay $0x1  }
0x8a: {  	s1 =	srdreg.scid  }
0x8b: {  	s0 =	sand.u32 $0x1, s1  }
0x8c: {  	s17 =	sshll.u32 s0, $0xA;
	s2 =	sadd.s32 s3, s2  }
0x8d: {  	s2 =	sadd.s32 s2, s17  }
0x8e: {  	[smem:$0x3FC3] =	sst s2  }
0x8f: {  	_ = 	snop  }
0x90: {  	s2 =	sld [smem:$0x3FD0];
	(tm) =	ssettm $0x1  }
0x91: {  	s18 =	sld [smem:$0x3FFB];
	_ =	sdelay $0x3  }
0x92: {  	_ =	strace s18  }
0x93: {  	s3 =	sld [smem:$0x3FFC];
	_ =	sdelay $0x3  }
0x94: {  	_ =	strace s3  }
0x95: {  	s3 =	sld [smem:$0x3FFD];
	_ =	sdelay $0x3  }
0x96: {  	_ =	strace s3  }
0x97: {  	_ =	strace $0x8FFFFFFF  }
0x98: {  	s19 =	sld [smem:$0x3FDB];
	_ =	sdelay $0x1  }
0x99: {  	s4 =	simm.s32 $_scs_section_size  }
0x9a: {  	s5 =	simm.s32 $_size__tile_overlayer_lowered;
	s6 =	simm.s32 $_tile_overlayer_lowered  }
0x9b: {  	s22 =	simm.s32 $0x1BFF;
	s21 =	sshll.u32 s6, $0x1;
	s3 =	sadd.s32 s4, s19  }
0x9c: {  	s7 =	simm.s32 $0x0;
	s20 =	sshll.u32 s5, $0x1;
	s5 =	sadd.s32 s21, s3  }
0x9d: {  	[timem:s7], [sflag:s22] =	dma.local [hbm:s5], s20  }
0x9e: {  	_ =	swait.ge [sflag:s22], s20  }
0x9f: {  	s4 =	ssub.s32 $0x0, s20;
	[sflag:s22] =	ssyncset.done $0x0  }
0xa0: {  	[sflag:s22] =	ssyncadd.s32 s4;
	_ =	sdelay $0x1  }
0xa1: {  	s23 =	simm.s32 $0x1B8B  }
0xa2: {  	_ =	swait.ge [sflag:s23], $0x1  }
0xa3: {  	[sflag:s23] =	ssyncset.done $0x0  }
0xa4: {  	s25 =	simm.s32 $0x1B8E;
	s24 =	sld [smem:$0x3FFE];
	[sflag:s23] =	ssyncadd.s32 $0xFFFFFFFF  }
0xa5: {  	s26 =	simm.s32 $execute0_lowered;
	[smem:$0x3FD2] =	sst s25  }
0xa6: {  	s5 =	sshll.u32 s26, $0x1;
	_ =	strace $0x80000046;
	[dreg:$0x1] =	wrdreg $0xFFFFFFFF  }
0xa7: {  	s28 =	simm.s32 $_size_execute0_lowered;
	s3 =	sadd.s32 s3, s5;
	[dreg:$0x0] =	wrdreg $0x0  }
0xa8: {  	s5 =	sshll.u32 s28, $0x1;
	[dreg:$0x2] =	wrdreg s3  }
0xa9: {  	[dreg:$0x3] =	wrdreg s5  }
0xaa: {  	[dreg:$0x4] =	wrdreg $0xC0  }
0xab: {  	_ =	task [dreg:s7], $0x5FFFF  }
0xac: {  	[dreg:$0x1] =	wrdreg $0xFFFFFFFF  }
0xad: {  	[dreg:$0x0] =	wrdreg $0x60  }
0xae: {  	[dreg:$0x2] =	wrdreg s24  }
0xaf: {  	[dreg:$0x3] =	wrdreg s2  }
0xb0: {  	[dreg:$0x4] =	wrdreg $0x120400  }
0xb1: {  	[dreg:$0x5] =	wrdreg $0x9  }
0xb2: {  	_ =	task.clear_ibuf [dreg:s7], $0x6FFFF;
	_ =	strace $0x90000046  }
0xb3: {  	s29 =	simm.s32 $0x9;
	_ =	strace $0x80000048  }
0xb4: {  	_ =	swait.ge [sflag:s29], $0x1  }
0xb5: {  	[sflag:s29] =	ssyncadd.s32 $0xFFFFFFFF  }
0xb6: {  	_ =	strace $0x90000048  }
0xb7: {  	_ =	sfence  }
0xb8: {  	s30 =	sld [smem:$0x0];
	_ =	sdelay $0x2  }
0xb9: {  	s31 =	sshll.u32 s1, $0xD;
	s1 =	sshrl.u32 s1, $0x2  }
0xba: {  	s3 =	sand.u32 $0x4000, s31;
	s1 =	sadd.s32 s1, s30  }
0xbb: {  	s0 =	sor.u32 s3, s0;
	s1 =	sshll.u32 s1, $0x11  }
0xbc: {  	s0 =	sor.u32 s1, s0  }
0xbd: {  	s0 =	sadd.s32 $0x8F2B, s0  }
0xbe: {  	[sflag:s0] =	ssyncadd.remote.s32 $0x1  }
0xbf: {  	_ =	sfence.sel $0xFFFF  }
0xc0: {  	[dreg:$0x0] =	wrdreg $0xFFFFFFFF;
	(pc) =	sbr.abs _section_cstart, $3  }
0xc1: {  	[dreg:$0x1] =	wrdreg $0xFFFFFFFF  }
0xc2: {  	_ =	task.clear_ibuf [dreg:s7], $0x2FFFF;
	_ =	strace $0x9FFFFFFF  }
0xc3: {  	(tm) =	ssettm $0x7FFFFFFF  }
tec
execute0_lowered:
.L_overlay_start_1:
0x0: {  	(tag) =	ssettag $0x1  }
0x1: {  	s5 =	rddreg [dreg:$0x0]  }
0x2: {  	s11 =	rddreg [dreg:$0x1]  }
0x3: {  	s2 =	rddreg [dreg:$0x2]  }
0x4: {  	s1 =	stileid.u32;
	s4 =	srdreg.scid;
	s3 =	simm.s32 $0x0  }
0x5: {  	s16 =	simm.s32 $0xB040;
	s17 =	simm.s32 $0x2;
	s6 =	smul.u32 $0x9C4, s1  }
0x6: {  	s18 =	simm.s32 $0xD040;
	s19 =	simm.s32 $0x50;
	s8 =	smul.u32 $0x28000, s1  }
0x7: {  	s20 =	simm.s32 $0x9C40;
	s26 =	simm.s32 $0x0;
	s15 =	smul.u32 $0xA000, s1  }
0x8: {  	s12 =	sand.u32 $0x1, s4;
	[smem:$0x7FF] =	sst s3;
	s25 =	smul.u32 $0x500, s1  }
0x9: {  	s4 =	sadd.s32 $0x15A00, s5;
	s7 =	smul.u32 $0x14000, s12;
	_ =	strace $0x80000047  }
0xa: {  	s29 =	ssub.s32 $0x2, s12;
	s9 =	sadd.s32 s6, s5;
	s6 =	smul.u32 $0x7D, s12  }
0xb: {  	s30 =	sshrl.u32 s29, $0x1;
	s31 =	sshrl.u32 s8, $0x2;
	s12 =	smul.u32 $0x5000, s12  }
0xc: {  	s22 =	sshrl.u32 s15, $0x3;
	s23 =	sadd.s32 s15, s2;
	s13 =	sadd.s32 s7, s5  }
0xd: {  	s14 =	ssub.s32 s29, s30;
	s5 =	sadd.s32 s31, s2;
	s7 =	sadd.s32 $0xBC00, s9  }
0xe: {  	s8 =	sadd.s32 $0x1E00, s9;
	s23 =	sshrl.u32 s23, $0x3;
	s9 =	sadd.s32 $0x16000, s13  }
0xf: {  	s10 =	sadd.s32 $0x7D, s6;
	s21 =	sadd.s32 $0x3E000, s13;
	s24 =	sadd.s32 s11, s12  }
0x10: {  	s11 =	smax.u32 s14, $0x1;
	s12 =	sadd.s32 $0x2000, s5;
	s13 =	sadd.s32 $0x4000, s5  }
0x11: {  	s14 =	sadd.s32 $0x6000, s5;
	s15 =	sadd.s32 $0x8000, s5;
	s21 =	sadd.s32 s22, s21  }
0x12: {  	v0 =	vimm.f32 $0.0e+00;
	s22 =	simm.s32 $0x1;
	s24 =	sadd.s32 s25, s24;
	s25 =	simm.s32 $0xF840  }
.LBB2_1:
0x13: {  	s28 =	simm.s32 $0x0  }
.LBB2_2:
0x14: {  	p0 =	sne.s32 s28, $0x7F00  }
.Ltmp0:
0x15: {  	s29 =	sshra.s32 s28, $0x2;
	(pc) =	sbr.rel @p0 .LBB2_2-.Ltmp0, $4  }
0x16: {  	[tilespmem:s29+$0xB040] =	vst v0  }
0x17: {  	[tilespmem:s29+$0xB050] =	vst v0  }
0x18: {  	[tilespmem:s29+$0xB060] =	vst v0  }
0x19: {  	s28 =	sadd.s32 $0x100, s28;
	[tilespmem:s29+$0xB070] =	vst v0  }
0x1a: {  	s28 =	simm.s32 $0x40;
	s29 =	simm.s32 $0x0  }
.LBB2_4:
0x1b: {  	p0 =	sne.s32 s28, $0x9FC0;
	[tilespmem:s29+$0xF840] =	vst v0;
	s29 =	smov.u32 s28;
	s28 =	sadd.s32 $0x40, s28  }
.Ltmp1:
0x1c: {  	(pc) =	sbr.rel @p0 .LBB2_4-.Ltmp1, $2  }
0x1d: {  	_ =	sdelay $0x2  }
0x1e: {  	s29 =	sshra.s32 s29, $0x2  }
0x1f: {  	[tilespmem:s29+$0xF840] =	vst v0  }
0x20: {  	[spmem:s5] =	stream.linear.scatter [tilespmem:s16], [sflag:$0x2], $0x2000, $0x38;
	[tilespmem:$0x1C040] =	vst v63  }
0x21: {  	_ =	swait.ge [sflag:s17], $0x2000  }
0x22: {  	[sflag:s17] =	ssyncset.done $0x0  }
0x23: {  	[sflag:s17] =	ssyncadd.s32 $0xFFFFE000  }
0x24: {  	[spmem:s12] =	stream.linear.scatter [tilespmem:s16], [sflag:$0x2], $0x2000, $0x38;
	[tilespmem:$0x1C040] =	vst v63  }
0x25: {  	_ =	swait.ge [sflag:s17], $0x2000  }
0x26: {  	[sflag:s17] =	ssyncset.done $0x0  }
0x27: {  	[sflag:s17] =	ssyncadd.s32 $0xFFFFE000  }
0x28: {  	[spmem:s13] =	stream.linear.scatter [tilespmem:s16], [sflag:$0x2], $0x2000, $0x38;
	[tilespmem:$0x1C040] =	vst v63  }
0x29: {  	_ =	swait.ge [sflag:s17], $0x2000  }
0x2a: {  	[sflag:s17] =	ssyncset.done $0x0  }
0x2b: {  	[sflag:s17] =	ssyncadd.s32 $0xFFFFE000  }
0x2c: {  	[spmem:s14] =	stream.linear.scatter [tilespmem:s16], [sflag:$0x2], $0x2000, $0x38;
	[tilespmem:$0x1C040] =	vst v63  }
0x2d: {  	_ =	swait.ge [sflag:s17], $0x2000  }
0x2e: {  	[sflag:s17] =	ssyncset.done $0x0  }
0x2f: {  	[sflag:s17] =	ssyncadd.s32 $0xFFFFE000  }
0x30: {  	[spmem:s15] =	stream.linear.scatter [tilespmem:s16], [sflag:$0x2], $0x2000, $0x38;
	[tilespmem:$0x1C040] =	vst v63  }
0x31: {  	_ =	swait.ge [sflag:s17], $0x2000  }
0x32: {  	[sflag:s17] =	ssyncset.done $0x0  }
0x33: {  	[sflag:s17] =	ssyncadd.s32 $0xFFFFE000  }
0x34: {  	s28 =	simm.s32 $0x0;
	[bflag:$0x0] =	sbarrier.arrive $0xFFFF  }
0x35: {  	[tilespmem:s28], [sflag:$0x2] =	stream.linear.gather [hbm4b:s7+s28], $0x4E20, $0x38;
	[tilespmem:$0x1C040] =	vst v63  }
0x36: {  	_ =	swait.ge [sflag:s17], $0x4E20  }
0x37: {  	[sflag:s17] =	ssyncset.done $0x0  }
0x38: {  	s29 =	simm.s32 $0x4E20;
	[sflag:s17] =	ssyncadd.s32 $0xFFFFB1E0  }
0x39: {  	[tilespmem:s29], [sflag:$0x2] =	stream.linear.gather [hbm4b:s8+s28], $0x4E20, $0x38;
	[tilespmem:$0x1C040] =	vst v63  }
0x3a: {  	_ =	swait.ge [sflag:s17], $0x4E20  }
0x3b: {  	[sflag:s17] =	ssyncset.done $0x0  }
0x3c: {  	[sflag:s17] =	ssyncadd.s32 $0xFFFFB1E0  }
0x3d: {  	[tilespmem:s18], [sflag:$0x2] =	stream.linear.gather [hbm4b:s4+s28], $0x2800, $0x38;
	[tilespmem:$0x1C040] =	vst v63  }
0x3e: {  	_ =	swait.ge [sflag:s17], $0x2800  }
0x3f: {  	[sflag:s17] =	ssyncset.done $0x0  }
0x40: {  	s30 =	simm.s32 $0x0;
	[sflag:s17] =	ssyncadd.s32 $0xFFFFD800  }
.LBB2_6:
0x41: {  	[tilespmem:s20], [sflag:$0x1] =	stream.indirect.gather [hbm4b:s9+s19], $0x40, s28, s19, $0xb8;
	[tilespmem:$0x1C040] =	vst v63  }
0x42: {  	p0 =	slt.u32 s30, s6  }
0x43: {  	p1 =	sge.u32 @!p0 s30, s10  }
0x44: {  	p0 =	por p1, p0  }
0x45: {  	v1 =	vld @!p0 [tilespmem:s28+$0x0];
	_ =	sdelay $0x4  }
0x46: {  	v2 =	vld @!p0 [tilespmem:s29+$0x0];
	_ =	sdelay $0x1  }
0x47: {  	s31 =	simm.s32 @!p0 $0xD040  }
0x48: {  	v1 =	vld.idx.msk @!p0 [tilespmem:v1+s31+$0x0], $0xffff;
	_ =	sdelay $0x3  }
0x49: {  	s0 =	simm.s32 @!p0 $0xF840  }
0x4a: {  	[tilespmem:v2+s0+$0x0] =	vst.idx.add.f32.msk @!p0 $0xffff, v1  }
0x4b: {  	v1 =	vld @!p0 [tilespmem:s28+$0x10];
	_ =	sdelay $0x4  }
0x4c: {  	v2 =	vld @!p0 [tilespmem:s29+$0x10];
	_ =	sdelay $0x2  }
0x4d: {  	v1 =	vld.idx.msk @!p0 [tilespmem:v1+s31+$0x0], $0xffff;
	_ =	sdelay $0x4  }
0x4e: {  	[tilespmem:v2+s0+$0x0] =	vst.idx.add.f32.msk @!p0 $0xffff, v1  }
0x4f: {  	v1 =	vld @!p0 [tilespmem:s28+$0x20];
	_ =	sdelay $0x4  }
0x50: {  	v2 =	vld @!p0 [tilespmem:s29+$0x20];
	_ =	sdelay $0x2  }
0x51: {  	v1 =	vld.idx.msk @!p0 [tilespmem:v1+s31+$0x0], $0xffff;
	_ =	sdelay $0x4  }
0x52: {  	[tilespmem:v2+s0+$0x0] =	vst.idx.add.f32.msk @!p0 $0xffff, v1  }
0x53: {  	v1 =	vld @!p0 [tilespmem:s28+$0x30];
	_ =	sdelay $0x4  }
0x54: {  	v2 =	vld @!p0 [tilespmem:s29+$0x30];
	_ =	sdelay $0x2  }
0x55: {  	v1 =	vld.idx.msk @!p0 [tilespmem:v1+s31+$0x0], $0xffff;
	_ =	sdelay $0x4  }
0x56: {  	[tilespmem:v2+s0+$0x0] =	vst.idx.add.f32.msk @!p0 $0xffff, v1  }
0x57: {  	v1 =	vld @!p0 [tilespmem:s28+$0x40];
	_ =	sdelay $0x4  }
0x58: {  	v2 =	vld @!p0 [tilespmem:s29+$0x40];
	_ =	sdelay $0x2  }
0x59: {  	v1 =	vld.idx.msk @!p0 [tilespmem:v1+s31+$0x0], $0xffff;
	_ =	sdelay $0x4  }
0x5a: {  	[tilespmem:v2+s0+$0x0] =	vst.idx.add.f32.msk @!p0 $0xffff, v1  }
0x5b: {  	s30 =	sadd.s32 $0x1, s30;
	_ =	swait.ge [sflag:s22], $0x1400  }
0x5c: {  	p0 =	sne.s32 s30, $0xFA;
	[sflag:s22] =	ssyncset.done $0x0  }
.Ltmp2:
0x5d: {  	[sflag:s22] =	ssyncadd.s32 $0xFFFFEC00;
	(pc) =	sbr.rel @p0 .LBB2_6-.Ltmp2, $4  }
0x5e: {  	[spmem:s2] =	stream.indirect.scatter.add.f32 [tilespmem:s20], [sflag:$0x2], $0x40, s29, s19, $0xb8;
	[tilespmem:$0x1C040] =	vst v63  }
0x5f: {  	_ =	swait.ge [sflag:s17], $0x1400  }
0x60: {  	[sflag:s17] =	ssyncset.done $0x0  }
0x61: {  	s28 =	sadd.s32 $0x50, s28;
	s29 =	sadd.s32 $0x50, s29;
	[sflag:s17] =	ssyncadd.s32 $0xFFFFEC00  }
0x62: {  	s0 =	sshll.u32 s1, $0x6  }
0x63: {  	[bflag:$0x0] =	sbarrier.arrive $0xFFFF;
	s0 =	sor.u32 $0x1C02, s0  }
0x64: {  	[hbm:s21], [sflag:s0] =	dma.local [spmem:s23], $0x1400  }
0x65: {  	s26 =	sadd.s32 $0x1, s26;
	_ =	swait.ge [sflag:s17], $0x1400  }
0x66: {  	p0 =	sne.s32 s26, s11;
	[sflag:s17] =	ssyncset.done $0x0  }
.Ltmp3:
0x67: {  	[sflag:s17] =	ssyncadd.s32 $0xFFFFEC00;
	(pc) =	sbr.rel @p0 .LBB2_1-.Ltmp3, $4  }
0x68: {  	[hbm4b:s24+s3] =	stream.linear.scatter [tilespmem:s25], [sflag:$0x2], $0x2800, $0x38;
	[tilespmem:$0x1C040] =	vst v63  }
0x69: {  	_ =	swait.ge [sflag:s17], $0x2800  }
0x6a: {  	[sflag:s17] =	ssyncset.done $0x0  }
0x6b: {  	[sflag:s17] =	ssyncadd.s32 $0xFFFFD800  }
0x6c: {  	_ =	sfence.sel $0x180000  }
0x6d: {  	[bflag:$0x0] =	sbarrier.arrive $0xFFFF  }
0x6e: {  	_ =	strace $0x90000047  }
0x6f: {  	[bflag:$0x2] =	sbarrier.arrive $0xFFFF  }
0x70: {  	p0 =	sne.s32 s1, $0x0;
	s0 =	rddreg [dreg:$0x3]  }
0x71: {  	s0 =	sadd.s32 @!p0 $0x100000, s0  }
0x72: {  	[sflag:s0] =	ssyncadd.tile.s32 @!p0 $0x1;
	_ =	shalt  }
.Lfunc_end2:
_tile_overlayer_lowered:
.L_overlay_start_2:
0x73: {  	(tag) =	ssettag $0x2  }
0x74: {  	s0 =	rddreg [dreg:$0x0];
	s2 =	stileid.u32  }
0x75: {  	s1 =	rddreg [dreg:$0x1];
	p0 =	sne.s32 s2, $0x0  }
0x76: {  	s3 =	rddreg [dreg:$0x2];
	[bflag:$0x3] =	sbarrier.arrive $0xFFFF;
	s2 =	simm.s32 @!p0 $0x1C02  }
0x77: {  	[timem:s3], [sflag:s2] =	dma.local @!p0 [hbm:s0], s1  }
0x78: {  	s0 =	simm.s32 @!p0 $0x2  }
0x79: {  	_ =	swait.ge @!p0 [sflag:s0], s1  }
0x7a: {  	s1 =	ssub.s32 @!p0 $0x0, s1;
	[sflag:s0] =	ssyncset.done @!p0 $0x0  }
0x7b: {  	[sflag:s0] =	ssyncadd.s32 @!p0 s1  }
0x7c: {  	[bflag:$0x3] =	sbarrier.arrive $0xFFFF  }
0x7d: {  	_ =	shalt  }

</sc_bundles>
